<compile_context>
chip_gen: v7x
topology: tpu7x:2x2x1
jax: 0.10.2.dev20260603
libtpu: 0.0.44.dev20260713+nightly
codegen_flags: <defaults>
</compile_context>

<pallas_src>
import jax
import jax.numpy as jnp
from jax import lax
from jax.experimental import pallas as pl
from jax.experimental.pallas import tpu as pltpu
from jax.experimental.pallas import tpu_sc as plsc

B = 4096
T = 50
E = 64
H = 2 * E
NC = 2
NS = 16
NW = NC * NS
BT = B * T
HPW = BT // NW
CH = 128
NCH = HPW // CH
GK = 5
QPW = B // NW


def _sc_gather_body(hist_i2, hist_c2, i2, ic2, item_t, cat_t, bias_t,
                    h_out, q_out, bg_out,
                    idx_i, idx_c, idx1, rows_i, rows_c, bias_v,
                    sem_a, sem_b, sem_c, sem_d):
    wid = lax.axis_index("s") * NC + lax.axis_index("c")

    pltpu.sync_copy(i2.at[wid], idx1)
    ha = pltpu.async_copy(item_t.at[idx1.at[0]], rows_i.at[pl.ds(0, CH)],
                          sem_a)
    hb = pltpu.async_copy(bias_t.at[idx1.at[0]], bias_v.at[0], sem_c)
    hb.wait()
    pltpu.sync_copy(bias_v, bg_out.at[wid])
    ha.wait()
    pltpu.sync_copy(rows_i.at[pl.ds(0, CH)],
                    q_out.at[pl.ds(wid * QPW, QPW), pl.ds(0, E)])
    pltpu.sync_copy(ic2.at[wid], idx1)
    pltpu.async_copy(cat_t.at[idx1.at[0]], rows_c.at[pl.ds(0, CH)],
                     sem_b).wait()
    pltpu.sync_copy(rows_c.at[pl.ds(0, CH)],
                    q_out.at[pl.ds(wid * QPW, QPW), pl.ds(E, E)])

    pltpu.sync_copy(hist_i2.at[wid], idx_i)
    pltpu.sync_copy(hist_c2.at[wid], idx_c)
    base = wid * HPW

    def group(g, carry):
        c0 = g * GK
        hs = [pltpu.async_copy(item_t.at[idx_i.at[c0 + k]],
                               rows_i.at[pl.ds(k * CH, CH)], sem_a)
              for k in range(GK)]
        gs = [pltpu.async_copy(cat_t.at[idx_c.at[c0 + k]],
                               rows_c.at[pl.ds(k * CH, CH)], sem_b)
              for k in range(GK)]
        outs = []
        for k in range(GK):
            flat = base + (c0 + k) * CH
            tt = flat // B
            bb = flat - tt * B
            hs[k].wait()
            outs.append(pltpu.async_copy(
                rows_i.at[pl.ds(k * CH, CH)],
                h_out.at[tt, pl.ds(bb, CH), pl.ds(0, E)], sem_c))
        for k in range(GK):
            flat = base + (c0 + k) * CH
            tt = flat // B
            bb = flat - tt * B
            gs[k].wait()
            outs.append(pltpu.async_copy(
                rows_c.at[pl.ds(k * CH, CH)],
                h_out.at[tt, pl.ds(bb, CH), pl.ds(E, E)], sem_d))
        for o in outs:
            o.wait()
        return carry

    lax.fori_loop(0, NCH // GK, group, 0)


def _sc_gather(hist_i, hist_c, i, i_c, item_table, cat_table, item_bias):
    hist_i2 = hist_i.reshape(NW, NCH, CH)
    hist_c2 = hist_c.reshape(NW, NCH, CH)
    i2 = i.reshape(NW, 1, QPW)
    ic2 = i_c.reshape(NW, 1, QPW)
    mesh = plsc.VectorSubcoreMesh(core_axis_name="c", subcore_axis_name="s")
    f = pl.kernel(
        _sc_gather_body,
        out_type=(
            jax.ShapeDtypeStruct((T, B, H), jnp.float32),
            jax.ShapeDtypeStruct((B, H), jnp.float32),
            jax.ShapeDtypeStruct((NB, 1, BB), jnp.float32),
        ),
        mesh=mesh,
        compiler_params=pltpu.CompilerParams(use_tc_tiling_on_sc=False),
        scratch_types=[
            pltpu.VMEM((NCH, CH), jnp.int32),
            pltpu.VMEM((NCH, CH), jnp.int32),
            pltpu.VMEM((1, QPW), jnp.int32),
            pltpu.VMEM((GK * CH, E), jnp.float32),
            pltpu.VMEM((GK * CH, E), jnp.float32),
            pltpu.VMEM((1, QPW), jnp.float32),
            pltpu.SemaphoreType.DMA,
            pltpu.SemaphoreType.DMA,
            pltpu.SemaphoreType.DMA,
            pltpu.SemaphoreType.DMA,
        ],
    )
    return f(hist_i2, hist_c2, i2, ic2, item_table, cat_table, item_bias)


BB = 128
NB = B // BB
NZ = 32


def _dot(a, b):
    return jnp.dot(a, b, preferred_element_type=jnp.float32)


def _tc_body(h_ref, q_ref, sl_ref, bias_ref,
             wz_h_ref, wz_m_ref, cq_ref, b1c_ref, w2t_ref, b2c_ref, w3c_ref,
             bfin_ref, out_ref):
    h3 = h_ref[:]
    q = q_ref[:]

    h2 = h3.reshape(T * BB, H)
    qh2 = (jnp.broadcast_to(q[None], (T, BB, H)) * h3).reshape(T * BB, H)

    z = _dot(h2, wz_h_ref[:]) + _dot(qh2, wz_m_ref[:])
    zt = z.T

    qz = _dot(q, cq_ref[:])
    qzt = qz.T
    q16t = jnp.broadcast_to(qzt[0:16][:, None, :], (16, T, BB)).reshape(
        16, T * BB)

    z1s = jax.nn.sigmoid(zt[0:16] + q16t + b1c_ref[:])
    z2s = jax.nn.sigmoid(_dot(w2t_ref[:], z1s) + b2c_ref[:])
    s = jnp.sum(z2s * w3c_ref[:], axis=0, keepdims=True)
    s = s.reshape(T, BB)
    v = zt[16:17].reshape(T, BB)

    sl = sl_ref[0]
    mask = lax.broadcasted_iota(jnp.int32, (T, BB), 0) < sl
    s = jnp.where(mask, s, -2.0 ** 32 + 1) * (1.0 / (H ** 0.5))
    s = s - jnp.max(s, axis=0, keepdims=True)
    ex = jnp.exp(s)
    attn = ex / jnp.sum(ex, axis=0, keepdims=True)

    pooled = jnp.sum(attn * v, axis=0, keepdims=True)
    out = pooled + qzt[16:17] + bias_ref[0] + bfin_ref[0, 0]
    out_ref[0] = out


def _tc_forward(h, q, sl3, bias3, wz_h, wz_m, cq_ext, b1c, w2t, b2c, w3c,
                bfin):
    full = lambda shape: pl.BlockSpec(shape, lambda b: (0, 0))
    return pl.pallas_call(
        _tc_body,
        grid=(NB,),
        in_specs=[
            pl.BlockSpec((T, BB, H), lambda b: (0, b, 0)),
            pl.BlockSpec((BB, H), lambda b: (b, 0)),
            pl.BlockSpec((1, 1, BB), lambda b: (b, 0, 0)),
            pl.BlockSpec((1, 1, BB), lambda b: (b, 0, 0)),
            full((H, NZ)),
            full((H, NZ)),
            full((H, NZ)),
            full((16, 1)),
            full((8, 16)),
            full((8, 1)),
            full((8, 1)),
            full((1, 1)),
        ],
        out_specs=pl.BlockSpec((1, 1, BB), lambda b: (b, 0, 0)),
        out_shape=jax.ShapeDtypeStruct((NB, 1, BB), jnp.float32),
    )(h, q, sl3, bias3, wz_h, wz_m, cq_ext, b1c, w2t, b2c, w3c, bfin)


def kernel(u, i, i_c, hist_i, hist_c, sl, item_table, cat_table, item_bias,
           att_w1, att_b1, att_w2, att_b2, att_w3, att_b3, att_w4, att_b4,
           bn_gamma, bn_beta, fc1_w, fc1_b, fc2_w, fc2_b, fc3_w, fc3_b):
    del u
    w1q, w1h, w1d, w1m = (att_w1[0:H], att_w1[H:2 * H],
                          att_w1[2 * H:3 * H], att_w1[3 * H:4 * H])
    cq = w1q + w1d
    a = w1h - w1d
    g = fc1_w @ fc2_w @ fc3_w
    scale = bn_gamma / jnp.sqrt(1.0 + 1e-3)
    wfin = scale[:, None] * g
    bfin = (bn_beta @ g + (fc1_b @ fc2_w + fc2_b) @ fc3_w + fc3_b
            + att_b4 @ wfin[0:H])
    wp = att_w4 @ wfin[0:H]
    wq = wfin[H:2 * H]

    zpad = jnp.zeros((H, NZ - 17), jnp.float32)
    zcol = jnp.zeros((H, 1), jnp.float32)
    wz_h = jnp.concatenate([a, wp, zpad], axis=1)
    wz_m = jnp.concatenate([w1m, zcol, zpad], axis=1)
    cq_ext = jnp.concatenate([cq, wq, zpad], axis=1)

    h, q, bg = _sc_gather(
        hist_i.T.reshape(-1), hist_c.T.reshape(-1), i, i_c,
        item_table, cat_table, item_bias)

    out = _tc_forward(
        h, q, sl.reshape(NB, 1, BB), bg,
        wz_h, wz_m, cq_ext,
        att_b1.reshape(16, 1), att_w2.T, att_b2.reshape(8, 1),
        att_w3.reshape(8, 1), bfin.reshape(1, 1))
    return out.reshape(-1)

# --- scband reference (transcript-rebuilt; emitter-appended) ---
"""Pipeline reference for scband-model-din-24129126269282 (READ-ONLY COPY).

The authoritative reference and input builder live on the scoring server;
editing this copy changes nothing except your own understanding.
"""

import jax, jax.numpy as jnp
import numpy as np

B = 4096
T = 50
ITEM_COUNT = 100000
CAT_COUNT = 100
HIDDEN = 128
EMB = HIDDEN // 2


def _dense_init(k, fan_in, fan_out):
    lim = np.sqrt(6.0 / (fan_in + fan_out))
    return jax.random.uniform(k, (fan_in, fan_out), minval=-lim, maxval=lim, dtype=jnp.float32)


def setup_inputs(seed: int = 0):
    key = jax.random.key(seed)
    ks = jax.random.split(key, 20)
    d = {}
    d['u'] = jax.random.randint(ks[0], (B,), 0, ITEM_COUNT, dtype=jnp.int32)
    d['i'] = jax.random.randint(ks[1], (B,), 0, ITEM_COUNT, dtype=jnp.int32)
    d['i_c'] = jax.random.randint(ks[2], (B,), 0, CAT_COUNT, dtype=jnp.int32)
    d['hist_i'] = jax.random.randint(ks[3], (B, T), 0, ITEM_COUNT, dtype=jnp.int32)
    d['hist_c'] = jax.random.randint(ks[4], (B, T), 0, CAT_COUNT, dtype=jnp.int32)
    d['sl'] = jax.random.randint(ks[5], (B,), 1, T + 1, dtype=jnp.int32)
    d['item_table'] = jax.random.uniform(ks[6], (ITEM_COUNT, EMB), minval=-0.1, maxval=0.1, dtype=jnp.float32)
    d['cat_table'] = jax.random.uniform(ks[7], (CAT_COUNT, EMB), minval=-0.1, maxval=0.1, dtype=jnp.float32)
    d['item_bias'] = jnp.zeros((ITEM_COUNT,), dtype=jnp.float32)
    d['att_w1'] = _dense_init(ks[8], 4 * HIDDEN, 16); d['att_b1'] = jnp.zeros((16,), jnp.float32)
    d['att_w2'] = _dense_init(ks[9], 16, 8); d['att_b2'] = jnp.zeros((8,), jnp.float32)
    d['att_w3'] = _dense_init(ks[10], 8, 1); d['att_b3'] = jnp.zeros((1,), jnp.float32)
    d['att_w4'] = _dense_init(ks[11], HIDDEN, HIDDEN); d['att_b4'] = jnp.zeros((HIDDEN,), jnp.float32)
    d['bn_gamma'] = jnp.ones((2 * HIDDEN,), jnp.float32)
    d['bn_beta'] = jnp.zeros((2 * HIDDEN,), jnp.float32)
    d['fc1_w'] = _dense_init(ks[12], 2 * HIDDEN, 16); d['fc1_b'] = jnp.zeros((16,), jnp.float32)
    d['fc2_w'] = _dense_init(ks[13], 16, 8); d['fc2_b'] = jnp.zeros((8,), jnp.float32)
    d['fc3_w'] = _dense_init(ks[14], 8, 1); d['fc3_b'] = jnp.zeros((1,), jnp.float32)
    return d


def reference(u, i, i_c, hist_i, hist_c, sl, item_table, cat_table, item_bias,
              att_w1, att_b1, att_w2, att_b2, att_w3, att_b3, att_w4, att_b4,
              bn_gamma, bn_beta, fc1_w, fc1_b, fc2_w, fc2_b, fc3_w, fc3_b):
    # embedding lookups
    i_emb = jnp.concatenate([jnp.take(item_table, i, axis=0), jnp.take(cat_table, i_c, axis=0)], axis=1)  # [B, H]
    h_emb = jnp.concatenate([jnp.take(item_table, hist_i, axis=0), jnp.take(cat_table, hist_c, axis=0)], axis=2)  # [B, T, H]
    Bv, Tv, Hv = h_emb.shape
    # attention
    q = jnp.broadcast_to(i_emb[:, None, :], (Bv, Tv, Hv))
    din_all = jnp.concatenate([q, h_emb, q - h_emb, q * h_emb], axis=-1)  # [B, T, 4H]
    x = jax.nn.sigmoid(din_all @ att_w1 + att_b1)
    x = jax.nn.sigmoid(x @ att_w2 + att_b2)
    x = x @ att_w3 + att_b3  # [B, T, 1]
    scores = x.reshape(Bv, 1, Tv)
    key_masks = (jnp.arange(Tv)[None, :] < sl[:, None])[:, None, :]  # [B, 1, T]
    paddings = jnp.ones_like(scores) * (-2.0 ** 32 + 1)
    scores = jnp.where(key_masks, scores, paddings)
    scores = scores / (Hv ** 0.5)
    attn = jax.nn.softmax(scores, axis=-1)
    hist = jnp.matmul(attn, h_emb).reshape(Bv, Hv)
    hist = hist @ att_w4 + att_b4
    # DIN MLP
    din_i = jnp.concatenate([hist, i_emb], axis=-1)  # [B, 2H]
    # BatchNorm in inference mode: moving_mean=0, moving_var=1, eps=1e-3
    din_i = din_i / jnp.sqrt(1.0 + 1e-3) * bn_gamma + bn_beta
    out = din_i @ fc1_w + fc1_b
    out = out @ fc2_w + fc2_b
    out = out @ fc3_w + fc3_b
    out = out.reshape(-1)
    predictions = jnp.take(item_bias, i, axis=0) + out
    return predictions

if __name__ == "__main__":
    import jax
    _d = setup_inputs()
    print(jax.jit(kernel)(*tuple(_d.values())))

</pallas_src>

<mosaic_0001>
#map = affine_map<(d0, d1) -> (0, 0, 0)>
#map1 = affine_map<(d0, d1) -> (0, 0)>
#map2 = affine_map<(d0, d1) -> (0)>
module attributes {stable_mosaic.version = 14 : i64} {
  func.func @_sc_gather_body(%arg0: i32, %arg1: i32, %arg2: memref<32x50x128xi32, #tpu.memory_space<hbm>>, %arg3: memref<32x50x128xi32, #tpu.memory_space<hbm>>, %arg4: memref<32x1x128xi32, #tpu.memory_space<hbm>>, %arg5: memref<32x1x128xi32, #tpu.memory_space<hbm>>, %arg6: memref<100000x64xf32, #tpu.memory_space<hbm>>, %arg7: memref<100x64xf32, #tpu.memory_space<hbm>>, %arg8: memref<100000xf32, #tpu.memory_space<hbm>>, %arg9: memref<50x4096x128xf32, #tpu.memory_space<hbm>>, %arg10: memref<4096x128xf32, #tpu.memory_space<hbm>>, %arg11: memref<32x1x128xf32, #tpu.memory_space<hbm>>, %arg12: memref<50x128xi32, #tpu.memory_space<vmem>>, %arg13: memref<50x128xi32, #tpu.memory_space<vmem>>, %arg14: memref<1x128xi32, #tpu.memory_space<vmem>>, %arg15: memref<640x64xf32, #tpu.memory_space<vmem>>, %arg16: memref<640x64xf32, #tpu.memory_space<vmem>>, %arg17: memref<1x128xf32, #tpu.memory_space<vmem>>, %arg18: memref<!tpu.dma_semaphore, #tpu.memory_space<semaphore_mem>>, %arg19: memref<!tpu.dma_semaphore, #tpu.memory_space<semaphore_mem>>, %arg20: memref<!tpu.dma_semaphore, #tpu.memory_space<semaphore_mem>>, %arg21: memref<!tpu.dma_semaphore, #tpu.memory_space<semaphore_mem>>) attributes {dimension_semantics = [#tpu.dimension_semantics<core_parallel>, #tpu.dimension_semantics<subcore_parallel>], iteration_bounds = array<i64: 2, 16>, scalar_prefetch = 0 : i64, scratch_operands = 10 : i64, tpu.core_type = #tpu.core_type<sc_vector_subcore>, window_params = [{transform_indices = #map}, {transform_indices = #map}, {transform_indices = #map}, {transform_indices = #map}, {transform_indices = #map1}, {transform_indices = #map1}, {transform_indices = #map2}, {transform_indices = #map}, {transform_indices = #map1}, {transform_indices = #map}]} {
    %mul3A = arith.constant 2 : i32
    %mul3A_0 = arith.muli %arg1, %mul3A : i32
    %add3A = arith.addi %mul3A_0, %arg0 : i32
    "tpu.region"() ({
      %run_scoped3A = tpu.sem_alloc : memref<!tpu.dma_semaphore, #tpu.memory_space<semaphore_mem>>
      %dma_start3A_70 = arith.constant 0 : i32
      %dma_start3A_71 = arith.constant 0 : i32
      %dma_start3A_72 = tpu.memref_slice %arg4[%add3A, %dma_start3A_70, %dma_start3A_71] : memref<32x1x128xi32, #tpu.memory_space<hbm>> -> memref<1x1x128xi32, #tpu.memory_space<hbm>>
      %dma_start3A_73 = tpu.memref_squeeze %dma_start3A_72 : memref<1x1x128xi32, #tpu.memory_space<hbm>> -> memref<1x128xi32, #tpu.memory_space<hbm>>
      %dma_start3A_74 = arith.constant 0 : i32
      %dma_start3A_75 = arith.constant 0 : i32
      %dma_start3A_76 = tpu.memref_slice %arg4[%add3A, %dma_start3A_74, %dma_start3A_75] : memref<32x1x128xi32, #tpu.memory_space<hbm>> -> memref<1x1x128xi32, #tpu.memory_space<hbm>>
      %dma_start3A_77 = tpu.memref_squeeze %dma_start3A_76 : memref<1x1x128xi32, #tpu.memory_space<hbm>> -> memref<1x128xi32, #tpu.memory_space<hbm>>
      tpu.enqueue_dma source(%dma_start3A_77 : memref<1x128xi32, #tpu.memory_space<hbm>>) target(%arg14 : memref<1x128xi32, #tpu.memory_space<vmem>>) target_semaphore(%run_scoped3A : memref<!tpu.dma_semaphore, #tpu.memory_space<semaphore_mem>>)
      %dma_wait3A_78 = arith.constant 0 : i32
      %dma_wait3A_79 = arith.constant 0 : i32
      %dma_wait3A_80 = tpu.memref_slice %arg4[%add3A, %dma_wait3A_78, %dma_wait3A_79] : memref<32x1x128xi32, #tpu.memory_space<hbm>> -> memref<1x1x128xi32, #tpu.memory_space<hbm>>
      %dma_wait3A_81 = tpu.memref_squeeze %dma_wait3A_80 : memref<1x1x128xi32, #tpu.memory_space<hbm>> -> memref<1x128xi32, #tpu.memory_space<hbm>>
      %dma_wait3A_82 = arith.constant 0 : i32
      %dma_wait3A_83 = arith.constant 0 : i32
      %dma_wait3A_84 = tpu.memref_slice %arg4[%add3A, %dma_wait3A_82, %dma_wait3A_83] : memref<32x1x128xi32, #tpu.memory_space<hbm>> -> memref<1x1x128xi32, #tpu.memory_space<hbm>>
      %dma_wait3A_85 = tpu.memref_squeeze %dma_wait3A_84 : memref<1x1x128xi32, #tpu.memory_space<hbm>> -> memref<1x128xi32, #tpu.memory_space<hbm>>
      tpu.wait_dma2 semaphore(%run_scoped3A : memref<!tpu.dma_semaphore, #tpu.memory_space<semaphore_mem>>) src(%dma_wait3A_85 : memref<1x128xi32, #tpu.memory_space<hbm>>) dst(%arg14 : memref<1x128xi32, #tpu.memory_space<vmem>>)
      tpu.yield
    }) : () -> ()
    %dma_start3A = arith.constant 0 : i32
    %dma_start3A_1 = arith.constant 0 : i32
    %dma_start3A_2 = arith.constant 0 : i32
    %dma_start3A_3 = tpu.memref_slice %arg15[%dma_start3A_1, %dma_start3A_2] : memref<640x64xf32, #tpu.memory_space<vmem>> -> memref<128x64xf32, #tpu.memory_space<vmem>>
    %dma_start3A_4 = arith.constant 0 : i32
    %dma_start3A_5 = tpu.memref_slice %arg14[%dma_start3A, %dma_start3A_4] : memref<1x128xi32, #tpu.memory_space<vmem>> -> memref<1x128xi32, #tpu.memory_space<vmem>>
    %dma_start3A_6 = tpu.memref_squeeze %dma_start3A_5 : memref<1x128xi32, #tpu.memory_space<vmem>> -> memref<128xi32, #tpu.memory_space<vmem>>
    %dma_start3A_7 = arith.constant 0 : i32
    %dma_start3A_8 = arith.constant 0 : i32
    %dma_start3A_9 = tpu.memref_slice %arg6[%dma_start3A_7, %dma_start3A_8] : memref<100000x64xf32, #tpu.memory_space<hbm>> -> memref<100000x64xf32, #tpu.memory_space<hbm>>
    tpu.enqueue_indirect_dma source(%dma_start3A_9 : memref<100000x64xf32, #tpu.memory_space<hbm>>) target(%dma_start3A_3 : memref<128x64xf32, #tpu.memory_space<vmem>>) offsets(%dma_start3A_6 : memref<128xi32, #tpu.memory_space<vmem>>) semaphore(%arg18 : memref<!tpu.dma_semaphore, #tpu.memory_space<semaphore_mem>>)
    %dma_start3A_10 = arith.constant 0 : i32
    %dma_start3A_11 = arith.constant 0 : i32
    %dma_start3A_12 = arith.constant 0 : i32
    %dma_start3A_13 = tpu.memref_slice %arg17[%dma_start3A_11, %dma_start3A_12] : memref<1x128xf32, #tpu.memory_space<vmem>> -> memref<1x128xf32, #tpu.memory_space<vmem>>
    %dma_start3A_14 = tpu.memref_squeeze %dma_start3A_13 : memref<1x128xf32, #tpu.memory_space<vmem>> -> memref<128xf32, #tpu.memory_space<vmem>>
    %dma_start3A_15 = arith.constant 0 : i32
    %dma_start3A_16 = tpu.memref_slice %arg14[%dma_start3A_10, %dma_start3A_15] : memref<1x128xi32, #tpu.memory_space<vmem>> -> memref<1x128xi32, #tpu.memory_space<vmem>>
    %dma_start3A_17 = tpu.memref_squeeze %dma_start3A_16 : memref<1x128xi32, #tpu.memory_space<vmem>> -> memref<128xi32, #tpu.memory_space<vmem>>
    %dma_start3A_18 = arith.constant 0 : i32
    %dma_start3A_19 = tpu.memref_slice %arg8[%dma_start3A_18] : memref<100000xf32, #tpu.memory_space<hbm>> -> memref<100000xf32, #tpu.memory_space<hbm>>
    tpu.enqueue_indirect_dma source(%dma_start3A_19 : memref<100000xf32, #tpu.memory_space<hbm>>) target(%dma_start3A_14 : memref<128xf32, #tpu.memory_space<vmem>>) offsets(%dma_start3A_17 : memref<128xi32, #tpu.memory_space<vmem>>) semaphore(%arg20 : memref<!tpu.dma_semaphore, #tpu.memory_space<semaphore_mem>>)
    %dma_wait3A = arith.constant 0 : i32
    %dma_wait3A_20 = arith.constant 0 : i32
    %dma_wait3A_21 = arith.constant 0 : i32
    %dma_wait3A_22 = tpu.memref_slice %arg17[%dma_wait3A_20, %dma_wait3A_21] : memref<1x128xf32, #tpu.memory_space<vmem>> -> memref<1x128xf32, #tpu.memory_space<vmem>>
    %dma_wait3A_23 = tpu.memref_squeeze %dma_wait3A_22 : memref<1x128xf32, #tpu.memory_space<vmem>> -> memref<128xf32, #tpu.memory_space<vmem>>
    %dma_wait3A_24 = arith.constant 0 : i32
    %dma_wait3A_25 = tpu.memref_slice %arg14[%dma_wait3A, %dma_wait3A_24] : memref<1x128xi32, #tpu.memory_space<vmem>> -> memref<1x128xi32, #tpu.memory_space<vmem>>
    %dma_wait3A_26 = tpu.memref_squeeze %dma_wait3A_25 : memref<1x128xi32, #tpu.memory_space<vmem>> -> memref<128xi32, #tpu.memory_space<vmem>>
    %dma_wait3A_27 = arith.constant 0 : i32
    %dma_wait3A_28 = tpu.memref_slice %arg8[%dma_wait3A_27] : memref<100000xf32, #tpu.memory_space<hbm>> -> memref<100000xf32, #tpu.memory_space<hbm>>
    tpu.wait_indirect_dma semaphore(%arg20 : memref<!tpu.dma_semaphore, #tpu.memory_space<semaphore_mem>>) src(%dma_wait3A_28 : memref<100000xf32, #tpu.memory_space<hbm>>) dst(%dma_wait3A_23 : memref<128xf32, #tpu.memory_space<vmem>>)
    "tpu.region"() ({
      %run_scoped3A = tpu.sem_alloc : memref<!tpu.dma_semaphore, #tpu.memory_space<semaphore_mem>>
      %dma_start3A_70 = arith.constant 0 : i32
      %dma_start3A_71 = arith.constant 0 : i32
      %dma_start3A_72 = tpu.memref_slice %arg11[%add3A, %dma_start3A_70, %dma_start3A_71] : memref<32x1x128xf32, #tpu.memory_space<hbm>> -> memref<1x1x128xf32, #tpu.memory_space<hbm>>
      %dma_start3A_73 = tpu.memref_squeeze %dma_start3A_72 : memref<1x1x128xf32, #tpu.memory_space<hbm>> -> memref<1x128xf32, #tpu.memory_space<hbm>>
      %dma_start3A_74 = arith.constant 0 : i32
      %dma_start3A_75 = arith.constant 0 : i32
      %dma_start3A_76 = tpu.memref_slice %arg11[%add3A, %dma_start3A_74, %dma_start3A_75] : memref<32x1x128xf32, #tpu.memory_space<hbm>> -> memref<1x1x128xf32, #tpu.memory_space<hbm>>
      %dma_start3A_77 = tpu.memref_squeeze %dma_start3A_76 : memref<1x1x128xf32, #tpu.memory_space<hbm>> -> memref<1x128xf32, #tpu.memory_space<hbm>>
      tpu.enqueue_dma source(%arg17 : memref<1x128xf32, #tpu.memory_space<vmem>>) target(%dma_start3A_77 : memref<1x128xf32, #tpu.memory_space<hbm>>) target_semaphore(%run_scoped3A : memref<!tpu.dma_semaphore, #tpu.memory_space<semaphore_mem>>)
      %dma_wait3A_78 = arith.constant 0 : i32
      %dma_wait3A_79 = arith.constant 0 : i32
      %dma_wait3A_80 = tpu.memref_slice %arg11[%add3A, %dma_wait3A_78, %dma_wait3A_79] : memref<32x1x128xf32, #tpu.memory_space<hbm>> -> memref<1x1x128xf32, #tpu.memory_space<hbm>>
      %dma_wait3A_81 = tpu.memref_squeeze %dma_wait3A_80 : memref<1x1x128xf32, #tpu.memory_space<hbm>> -> memref<1x128xf32, #tpu.memory_space<hbm>>
      %dma_wait3A_82 = arith.constant 0 : i32
      %dma_wait3A_83 = arith.constant 0 : i32
      %dma_wait3A_84 = tpu.memref_slice %arg11[%add3A, %dma_wait3A_82, %dma_wait3A_83] : memref<32x1x128xf32, #tpu.memory_space<hbm>> -> memref<1x1x128xf32, #tpu.memory_space<hbm>>
      %dma_wait3A_85 = tpu.memref_squeeze %dma_wait3A_84 : memref<1x1x128xf32, #tpu.memory_space<hbm>> -> memref<1x128xf32, #tpu.memory_space<hbm>>
      tpu.wait_dma2 semaphore(%run_scoped3A : memref<!tpu.dma_semaphore, #tpu.memory_space<semaphore_mem>>) src(%arg17 : memref<1x128xf32, #tpu.memory_space<vmem>>) dst(%dma_wait3A_85 : memref<1x128xf32, #tpu.memory_space<hbm>>)
      tpu.yield
    }) : () -> ()
    %dma_wait3A_29 = arith.constant 0 : i32
    %dma_wait3A_30 = arith.constant 0 : i32
    %dma_wait3A_31 = arith.constant 0 : i32
    %dma_wait3A_32 = tpu.memref_slice %arg15[%dma_wait3A_30, %dma_wait3A_31] : memref<640x64xf32, #tpu.memory_space<vmem>> -> memref<128x64xf32, #tpu.memory_space<vmem>>
    %dma_wait3A_33 = arith.constant 0 : i32
    %dma_wait3A_34 = tpu.memref_slice %arg14[%dma_wait3A_29, %dma_wait3A_33] : memref<1x128xi32, #tpu.memory_space<vmem>> -> memref<1x128xi32, #tpu.memory_space<vmem>>
    %dma_wait3A_35 = tpu.memref_squeeze %dma_wait3A_34 : memref<1x128xi32, #tpu.memory_space<vmem>> -> memref<128xi32, #tpu.memory_space<vmem>>
    %dma_wait3A_36 = arith.constant 0 : i32
    %dma_wait3A_37 = arith.constant 0 : i32
    %dma_wait3A_38 = tpu.memref_slice %arg6[%dma_wait3A_36, %dma_wait3A_37] : memref<100000x64xf32, #tpu.memory_space<hbm>> -> memref<100000x64xf32, #tpu.memory_space<hbm>>
    tpu.wait_indirect_dma semaphore(%arg18 : memref<!tpu.dma_semaphore, #tpu.memory_space<semaphore_mem>>) src(%dma_wait3A_38 : memref<100000x64xf32, #tpu.memory_space<hbm>>) dst(%dma_wait3A_32 : memref<128x64xf32, #tpu.memory_space<vmem>>)
    %mul3A_39 = arith.constant 128 : i32
    %mul3A_40 = arith.muli %add3A, %mul3A_39 : i32
    "tpu.region"() ({
      %run_scoped3A = tpu.sem_alloc : memref<!tpu.dma_semaphore, #tpu.memory_space<semaphore_mem>>
      %dma_start3A_70 = arith.constant 0 : i32
      %dma_start3A_71 = arith.constant 0 : i32
      %dma_start3A_72 = tpu.memref_slice %arg15[%dma_start3A_70, %dma_start3A_71] : memref<640x64xf32, #tpu.memory_space<vmem>> -> memref<128x64xf32, #tpu.memory_space<vmem>>
      %dma_start3A_73 = arith.constant 0 : i32
      %dma_start3A_74 = tpu.memref_slice %arg10[%mul3A_40, %dma_start3A_73] : memref<4096x128xf32, #tpu.memory_space<hbm>> -> memref<128x64xf32, #tpu.memory_space<hbm>>
      %dma_start3A_75 = arith.constant 0 : i32
      %dma_start3A_76 = tpu.memref_slice %arg10[%mul3A_40, %dma_start3A_75] : memref<4096x128xf32, #tpu.memory_space<hbm>> -> memref<128x64xf32, #tpu.memory_space<hbm>>
      %dma_start3A_77 = arith.constant 0 : i32
      %dma_start3A_78 = arith.constant 0 : i32
      %dma_start3A_79 = tpu.memref_slice %arg15[%dma_start3A_77, %dma_start3A_78] : memref<640x64xf32, #tpu.memory_space<vmem>> -> memref<128x64xf32, #tpu.memory_space<vmem>>
      tpu.enqueue_dma source(%dma_start3A_79 : memref<128x64xf32, #tpu.memory_space<vmem>>) target(%dma_start3A_76 : memref<128x64xf32, #tpu.memory_space<hbm>>) target_semaphore(%run_scoped3A : memref<!tpu.dma_semaphore, #tpu.memory_space<semaphore_mem>>)
      %dma_wait3A_80 = arith.constant 0 : i32
      %dma_wait3A_81 = arith.constant 0 : i32
      %dma_wait3A_82 = tpu.memref_slice %arg15[%dma_wait3A_80, %dma_wait3A_81] : memref<640x64xf32, #tpu.memory_space<vmem>> -> memref<128x64xf32, #tpu.memory_space<vmem>>
      %dma_wait3A_83 = arith.constant 0 : i32
      %dma_wait3A_84 = tpu.memref_slice %arg10[%mul3A_40, %dma_wait3A_83] : memref<4096x128xf32, #tpu.memory_space<hbm>> -> memref<128x64xf32, #tpu.memory_space<hbm>>
      %dma_wait3A_85 = arith.constant 0 : i32
      %dma_wait3A_86 = tpu.memref_slice %arg10[%mul3A_40, %dma_wait3A_85] : memref<4096x128xf32, #tpu.memory_space<hbm>> -> memref<128x64xf32, #tpu.memory_space<hbm>>
      %dma_wait3A_87 = arith.constant 0 : i32
      %dma_wait3A_88 = arith.constant 0 : i32
      %dma_wait3A_89 = tpu.memref_slice %arg15[%dma_wait3A_87, %dma_wait3A_88] : memref<640x64xf32, #tpu.memory_space<vmem>> -> memref<128x64xf32, #tpu.memory_space<vmem>>
      tpu.wait_dma2 semaphore(%run_scoped3A : memref<!tpu.dma_semaphore, #tpu.memory_space<semaphore_mem>>) src(%dma_wait3A_89 : memref<128x64xf32, #tpu.memory_space<vmem>>) dst(%dma_wait3A_86 : memref<128x64xf32, #tpu.memory_space<hbm>>)
      tpu.yield
    }) : () -> ()
    "tpu.region"() ({
      %run_scoped3A = tpu.sem_alloc : memref<!tpu.dma_semaphore, #tpu.memory_space<semaphore_mem>>
      %dma_start3A_70 = arith.constant 0 : i32
      %dma_start3A_71 = arith.constant 0 : i32
      %dma_start3A_72 = tpu.memref_slice %arg5[%add3A, %dma_start3A_70, %dma_start3A_71] : memref<32x1x128xi32, #tpu.memory_space<hbm>> -> memref<1x1x128xi32, #tpu.memory_space<hbm>>
      %dma_start3A_73 = tpu.memref_squeeze %dma_start3A_72 : memref<1x1x128xi32, #tpu.memory_space<hbm>> -> memref<1x128xi32, #tpu.memory_space<hbm>>
      %dma_start3A_74 = arith.constant 0 : i32
      %dma_start3A_75 = arith.constant 0 : i32
      %dma_start3A_76 = tpu.memref_slice %arg5[%add3A, %dma_start3A_74, %dma_start3A_75] : memref<32x1x128xi32, #tpu.memory_space<hbm>> -> memref<1x1x128xi32, #tpu.memory_space<hbm>>
      %dma_start3A_77 = tpu.memref_squeeze %dma_start3A_76 : memref<1x1x128xi32, #tpu.memory_space<hbm>> -> memref<1x128xi32, #tpu.memory_space<hbm>>
      tpu.enqueue_dma source(%dma_start3A_77 : memref<1x128xi32, #tpu.memory_space<hbm>>) target(%arg14 : memref<1x128xi32, #tpu.memory_space<vmem>>) target_semaphore(%run_scoped3A : memref<!tpu.dma_semaphore, #tpu.memory_space<semaphore_mem>>)
      %dma_wait3A_78 = arith.constant 0 : i32
      %dma_wait3A_79 = arith.constant 0 : i32
      %dma_wait3A_80 = tpu.memref_slice %arg5[%add3A, %dma_wait3A_78, %dma_wait3A_79] : memref<32x1x128xi32, #tpu.memory_space<hbm>> -> memref<1x1x128xi32, #tpu.memory_space<hbm>>
      %dma_wait3A_81 = tpu.memref_squeeze %dma_wait3A_80 : memref<1x1x128xi32, #tpu.memory_space<hbm>> -> memref<1x128xi32, #tpu.memory_space<hbm>>
      %dma_wait3A_82 = arith.constant 0 : i32
      %dma_wait3A_83 = arith.constant 0 : i32
      %dma_wait3A_84 = tpu.memref_slice %arg5[%add3A, %dma_wait3A_82, %dma_wait3A_83] : memref<32x1x128xi32, #tpu.memory_space<hbm>> -> memref<1x1x128xi32, #tpu.memory_space<hbm>>
      %dma_wait3A_85 = tpu.memref_squeeze %dma_wait3A_84 : memref<1x1x128xi32, #tpu.memory_space<hbm>> -> memref<1x128xi32, #tpu.memory_space<hbm>>
      tpu.wait_dma2 semaphore(%run_scoped3A : memref<!tpu.dma_semaphore, #tpu.memory_space<semaphore_mem>>) src(%dma_wait3A_85 : memref<1x128xi32, #tpu.memory_space<hbm>>) dst(%arg14 : memref<1x128xi32, #tpu.memory_space<vmem>>)
      tpu.yield
    }) : () -> ()
    %dma_start3A_41 = arith.constant 0 : i32
    %dma_start3A_42 = arith.constant 0 : i32
    %dma_start3A_43 = arith.constant 0 : i32
    %dma_start3A_44 = tpu.memref_slice %arg16[%dma_start3A_42, %dma_start3A_43] : memref<640x64xf32, #tpu.memory_space<vmem>> -> memref<128x64xf32, #tpu.memory_space<vmem>>
    %dma_start3A_45 = arith.constant 0 : i32
    %dma_start3A_46 = tpu.memref_slice %arg14[%dma_start3A_41, %dma_start3A_45] : memref<1x128xi32, #tpu.memory_space<vmem>> -> memref<1x128xi32, #tpu.memory_space<vmem>>
    %dma_start3A_47 = tpu.memref_squeeze %dma_start3A_46 : memref<1x128xi32, #tpu.memory_space<vmem>> -> memref<128xi32, #tpu.memory_space<vmem>>
    %dma_start3A_48 = arith.constant 0 : i32
    %dma_start3A_49 = arith.constant 0 : i32
    %dma_start3A_50 = tpu.memref_slice %arg7[%dma_start3A_48, %dma_start3A_49] : memref<100x64xf32, #tpu.memory_space<hbm>> -> memref<100x64xf32, #tpu.memory_space<hbm>>
    tpu.enqueue_indirect_dma source(%dma_start3A_50 : memref<100x64xf32, #tpu.memory_space<hbm>>) target(%dma_start3A_44 : memref<128x64xf32, #tpu.memory_space<vmem>>) offsets(%dma_start3A_47 : memref<128xi32, #tpu.memory_space<vmem>>) semaphore(%arg19 : memref<!tpu.dma_semaphore, #tpu.memory_space<semaphore_mem>>)
    %dma_wait3A_51 = arith.constant 0 : i32
    %dma_wait3A_52 = arith.constant 0 : i32
    %dma_wait3A_53 = arith.constant 0 : i32
    %dma_wait3A_54 = tpu.memref_slice %arg16[%dma_wait3A_52, %dma_wait3A_53] : memref<640x64xf32, #tpu.memory_space<vmem>> -> memref<128x64xf32, #tpu.memory_space<vmem>>
    %dma_wait3A_55 = arith.constant 0 : i32
    %dma_wait3A_56 = tpu.memref_slice %arg14[%dma_wait3A_51, %dma_wait3A_55] : memref<1x128xi32, #tpu.memory_space<vmem>> -> memref<1x128xi32, #tpu.memory_space<vmem>>
    %dma_wait3A_57 = tpu.memref_squeeze %dma_wait3A_56 : memref<1x128xi32, #tpu.memory_space<vmem>> -> memref<128xi32, #tpu.memory_space<vmem>>
    %dma_wait3A_58 = arith.constant 0 : i32
    %dma_wait3A_59 = arith.constant 0 : i32
    %dma_wait3A_60 = tpu.memref_slice %arg7[%dma_wait3A_58, %dma_wait3A_59] : memref<100x64xf32, #tpu.memory_space<hbm>> -> memref<100x64xf32, #tpu.memory_space<hbm>>
    tpu.wait_indirect_dma semaphore(%arg19 : memref<!tpu.dma_semaphore, #tpu.memory_space<semaphore_mem>>) src(%dma_wait3A_60 : memref<100x64xf32, #tpu.memory_space<hbm>>) dst(%dma_wait3A_54 : memref<128x64xf32, #tpu.memory_space<vmem>>)
    %mul3A_61 = arith.constant 128 : i32
    %mul3A_62 = arith.muli %add3A, %mul3A_61 : i32
    "tpu.region"() ({
      %run_scoped3A = tpu.sem_alloc : memref<!tpu.dma_semaphore, #tpu.memory_space<semaphore_mem>>
      %dma_start3A_70 = arith.constant 0 : i32
      %dma_start3A_71 = arith.constant 0 : i32
      %dma_start3A_72 = tpu.memref_slice %arg16[%dma_start3A_70, %dma_start3A_71] : memref<640x64xf32, #tpu.memory_space<vmem>> -> memref<128x64xf32, #tpu.memory_space<vmem>>
      %dma_start3A_73 = arith.constant 64 : i32
      %dma_start3A_74 = tpu.memref_slice %arg10[%mul3A_62, %dma_start3A_73] : memref<4096x128xf32, #tpu.memory_space<hbm>> -> memref<128x64xf32, #tpu.memory_space<hbm>>
      %dma_start3A_75 = arith.constant 64 : i32
      %dma_start3A_76 = tpu.memref_slice %arg10[%mul3A_62, %dma_start3A_75] : memref<4096x128xf32, #tpu.memory_space<hbm>> -> memref<128x64xf32, #tpu.memory_space<hbm>>
      %dma_start3A_77 = arith.constant 0 : i32
      %dma_start3A_78 = arith.constant 0 : i32
      %dma_start3A_79 = tpu.memref_slice %arg16[%dma_start3A_77, %dma_start3A_78] : memref<640x64xf32, #tpu.memory_space<vmem>> -> memref<128x64xf32, #tpu.memory_space<vmem>>
      tpu.enqueue_dma source(%dma_start3A_79 : memref<128x64xf32, #tpu.memory_space<vmem>>) target(%dma_start3A_76 : memref<128x64xf32, #tpu.memory_space<hbm>>) target_semaphore(%run_scoped3A : memref<!tpu.dma_semaphore, #tpu.memory_space<semaphore_mem>>)
      %dma_wait3A_80 = arith.constant 0 : i32
      %dma_wait3A_81 = arith.constant 0 : i32
      %dma_wait3A_82 = tpu.memref_slice %arg16[%dma_wait3A_80, %dma_wait3A_81] : memref<640x64xf32, #tpu.memory_space<vmem>> -> memref<128x64xf32, #tpu.memory_space<vmem>>
      %dma_wait3A_83 = arith.constant 64 : i32
      %dma_wait3A_84 = tpu.memref_slice %arg10[%mul3A_62, %dma_wait3A_83] : memref<4096x128xf32, #tpu.memory_space<hbm>> -> memref<128x64xf32, #tpu.memory_space<hbm>>
      %dma_wait3A_85 = arith.constant 64 : i32
      %dma_wait3A_86 = tpu.memref_slice %arg10[%mul3A_62, %dma_wait3A_85] : memref<4096x128xf32, #tpu.memory_space<hbm>> -> memref<128x64xf32, #tpu.memory_space<hbm>>
      %dma_wait3A_87 = arith.constant 0 : i32
      %dma_wait3A_88 = arith.constant 0 : i32
      %dma_wait3A_89 = tpu.memref_slice %arg16[%dma_wait3A_87, %dma_wait3A_88] : memref<640x64xf32, #tpu.memory_space<vmem>> -> memref<128x64xf32, #tpu.memory_space<vmem>>
      tpu.wait_dma2 semaphore(%run_scoped3A : memref<!tpu.dma_semaphore, #tpu.memory_space<semaphore_mem>>) src(%dma_wait3A_89 : memref<128x64xf32, #tpu.memory_space<vmem>>) dst(%dma_wait3A_86 : memref<128x64xf32, #tpu.memory_space<hbm>>)
      tpu.yield
    }) : () -> ()
    "tpu.region"() ({
      %run_scoped3A = tpu.sem_alloc : memref<!tpu.dma_semaphore, #tpu.memory_space<semaphore_mem>>
      %dma_start3A_70 = arith.constant 0 : i32
      %dma_start3A_71 = arith.constant 0 : i32
      %dma_start3A_72 = tpu.memref_slice %arg2[%add3A, %dma_start3A_70, %dma_start3A_71] : memref<32x50x128xi32, #tpu.memory_space<hbm>> -> memref<1x50x128xi32, #tpu.memory_space<hbm>>
      %dma_start3A_73 = tpu.memref_squeeze %dma_start3A_72 : memref<1x50x128xi32, #tpu.memory_space<hbm>> -> memref<50x128xi32, #tpu.memory_space<hbm>>
      %dma_start3A_74 = arith.constant 0 : i32
      %dma_start3A_75 = arith.constant 0 : i32
      %dma_start3A_76 = tpu.memref_slice %arg2[%add3A, %dma_start3A_74, %dma_start3A_75] : memref<32x50x128xi32, #tpu.memory_space<hbm>> -> memref<1x50x128xi32, #tpu.memory_space<hbm>>
      %dma_start3A_77 = tpu.memref_squeeze %dma_start3A_76 : memref<1x50x128xi32, #tpu.memory_space<hbm>> -> memref<50x128xi32, #tpu.memory_space<hbm>>
      tpu.enqueue_dma source(%dma_start3A_77 : memref<50x128xi32, #tpu.memory_space<hbm>>) target(%arg12 : memref<50x128xi32, #tpu.memory_space<vmem>>) target_semaphore(%run_scoped3A : memref<!tpu.dma_semaphore, #tpu.memory_space<semaphore_mem>>)
      %dma_wait3A_78 = arith.constant 0 : i32
      %dma_wait3A_79 = arith.constant 0 : i32
      %dma_wait3A_80 = tpu.memref_slice %arg2[%add3A, %dma_wait3A_78, %dma_wait3A_79] : memref<32x50x128xi32, #tpu.memory_space<hbm>> -> memref<1x50x128xi32, #tpu.memory_space<hbm>>
      %dma_wait3A_81 = tpu.memref_squeeze %dma_wait3A_80 : memref<1x50x128xi32, #tpu.memory_space<hbm>> -> memref<50x128xi32, #tpu.memory_space<hbm>>
      %dma_wait3A_82 = arith.constant 0 : i32
      %dma_wait3A_83 = arith.constant 0 : i32
      %dma_wait3A_84 = tpu.memref_slice %arg2[%add3A, %dma_wait3A_82, %dma_wait3A_83] : memref<32x50x128xi32, #tpu.memory_space<hbm>> -> memref<1x50x128xi32, #tpu.memory_space<hbm>>
      %dma_wait3A_85 = tpu.memref_squeeze %dma_wait3A_84 : memref<1x50x128xi32, #tpu.memory_space<hbm>> -> memref<50x128xi32, #tpu.memory_space<hbm>>
      tpu.wait_dma2 semaphore(%run_scoped3A : memref<!tpu.dma_semaphore, #tpu.memory_space<semaphore_mem>>) src(%dma_wait3A_85 : memref<50x128xi32, #tpu.memory_space<hbm>>) dst(%arg12 : memref<50x128xi32, #tpu.memory_space<vmem>>)
      tpu.yield
    }) : () -> ()
    "tpu.region"() ({
      %run_scoped3A = tpu.sem_alloc : memref<!tpu.dma_semaphore, #tpu.memory_space<semaphore_mem>>
      %dma_start3A_70 = arith.constant 0 : i32
      %dma_start3A_71 = arith.constant 0 : i32
      %dma_start3A_72 = tpu.memref_slice %arg3[%add3A, %dma_start3A_70, %dma_start3A_71] : memref<32x50x128xi32, #tpu.memory_space<hbm>> -> memref<1x50x128xi32, #tpu.memory_space<hbm>>
      %dma_start3A_73 = tpu.memref_squeeze %dma_start3A_72 : memref<1x50x128xi32, #tpu.memory_space<hbm>> -> memref<50x128xi32, #tpu.memory_space<hbm>>
      %dma_start3A_74 = arith.constant 0 : i32
      %dma_start3A_75 = arith.constant 0 : i32
      %dma_start3A_76 = tpu.memref_slice %arg3[%add3A, %dma_start3A_74, %dma_start3A_75] : memref<32x50x128xi32, #tpu.memory_space<hbm>> -> memref<1x50x128xi32, #tpu.memory_space<hbm>>
      %dma_start3A_77 = tpu.memref_squeeze %dma_start3A_76 : memref<1x50x128xi32, #tpu.memory_space<hbm>> -> memref<50x128xi32, #tpu.memory_space<hbm>>
      tpu.enqueue_dma source(%dma_start3A_77 : memref<50x128xi32, #tpu.memory_space<hbm>>) target(%arg13 : memref<50x128xi32, #tpu.memory_space<vmem>>) target_semaphore(%run_scoped3A : memref<!tpu.dma_semaphore, #tpu.memory_space<semaphore_mem>>)
      %dma_wait3A_78 = arith.constant 0 : i32
      %dma_wait3A_79 = arith.constant 0 : i32
      %dma_wait3A_80 = tpu.memref_slice %arg3[%add3A, %dma_wait3A_78, %dma_wait3A_79] : memref<32x50x128xi32, #tpu.memory_space<hbm>> -> memref<1x50x128xi32, #tpu.memory_space<hbm>>
      %dma_wait3A_81 = tpu.memref_squeeze %dma_wait3A_80 : memref<1x50x128xi32, #tpu.memory_space<hbm>> -> memref<50x128xi32, #tpu.memory_space<hbm>>
      %dma_wait3A_82 = arith.constant 0 : i32
      %dma_wait3A_83 = arith.constant 0 : i32
      %dma_wait3A_84 = tpu.memref_slice %arg3[%add3A, %dma_wait3A_82, %dma_wait3A_83] : memref<32x50x128xi32, #tpu.memory_space<hbm>> -> memref<1x50x128xi32, #tpu.memory_space<hbm>>
      %dma_wait3A_85 = tpu.memref_squeeze %dma_wait3A_84 : memref<1x50x128xi32, #tpu.memory_space<hbm>> -> memref<50x128xi32, #tpu.memory_space<hbm>>
      tpu.wait_dma2 semaphore(%run_scoped3A : memref<!tpu.dma_semaphore, #tpu.memory_space<semaphore_mem>>) src(%dma_wait3A_85 : memref<50x128xi32, #tpu.memory_space<hbm>>) dst(%arg13 : memref<50x128xi32, #tpu.memory_space<vmem>>)
      tpu.yield
    }) : () -> ()
    %mul3A_63 = arith.constant 6400 : i32
    %mul3A_64 = arith.muli %add3A, %mul3A_63 : i32
    %scan3A = arith.constant 0 : i32
    %scan3A_65 = arith.constant 0 : i32
    %scan3A_66 = arith.constant 10 : i32
    %scan3A_67 = arith.addi %scan3A_65, %scan3A_66 : i32
    %scan3A_68 = arith.constant 1 : i32
    scf.for %scan3A_70 = %scan3A_65 to %scan3A_67 step %scan3A_68  : i32 {
      %mul3A_71 = arith.constant 5 : i32
      %mul3A_72 = arith.muli %scan3A_70, %mul3A_71 : i32
      %add3A_73 = arith.constant 0 : i32
      %add3A_74 = arith.addi %mul3A_72, %add3A_73 : i32
      %dma_start3A_75 = arith.constant 0 : i32
      %dma_start3A_76 = arith.constant 0 : i32
      %dma_start3A_77 = tpu.memref_slice %arg15[%dma_start3A_75, %dma_start3A_76] : memref<640x64xf32, #tpu.memory_space<vmem>> -> memref<128x64xf32, #tpu.memory_space<vmem>>
      %dma_start3A_78 = arith.constant 0 : i32
      %dma_start3A_79 = tpu.memref_slice %arg12[%add3A_74, %dma_start3A_78] : memref<50x128xi32, #tpu.memory_space<vmem>> -> memref<1x128xi32, #tpu.memory_space<vmem>>
      %dma_start3A_80 = tpu.memref_squeeze %dma_start3A_79 : memref<1x128xi32, #tpu.memory_space<vmem>> -> memref<128xi32, #tpu.memory_space<vmem>>
      %dma_start3A_81 = arith.constant 0 : i32
      %dma_start3A_82 = arith.constant 0 : i32
      %dma_start3A_83 = tpu.memref_slice %arg6[%dma_start3A_81, %dma_start3A_82] : memref<100000x64xf32, #tpu.memory_space<hbm>> -> memref<100000x64xf32, #tpu.memory_space<hbm>>
      tpu.enqueue_indirect_dma source(%dma_start3A_83 : memref<100000x64xf32, #tpu.memory_space<hbm>>) target(%dma_start3A_77 : memref<128x64xf32, #tpu.memory_space<vmem>>) offsets(%dma_start3A_80 : memref<128xi32, #tpu.memory_space<vmem>>) semaphore(%arg18 : memref<!tpu.dma_semaphore, #tpu.memory_space<semaphore_mem>>)
      %add3A_84 = arith.constant 1 : i32
      %add3A_85 = arith.addi %mul3A_72, %add3A_84 : i32
      %dma_start3A_86 = arith.constant 128 : i32
      %dma_start3A_87 = arith.constant 0 : i32
      %dma_start3A_88 = tpu.memref_slice %arg15[%dma_start3A_86, %dma_start3A_87] : memref<640x64xf32, #tpu.memory_space<vmem>> -> memref<128x64xf32, #tpu.memory_space<vmem>>
      %dma_start3A_89 = arith.constant 0 : i32
      %dma_start3A_90 = tpu.memref_slice %arg12[%add3A_85, %dma_start3A_89] : memref<50x128xi32, #tpu.memory_space<vmem>> -> memref<1x128xi32, #tpu.memory_space<vmem>>
      %dma_start3A_91 = tpu.memref_squeeze %dma_start3A_90 : memref<1x128xi32, #tpu.memory_space<vmem>> -> memref<128xi32, #tpu.memory_space<vmem>>
      %dma_start3A_92 = arith.constant 0 : i32
      %dma_start3A_93 = arith.constant 0 : i32
      %dma_start3A_94 = tpu.memref_slice %arg6[%dma_start3A_92, %dma_start3A_93] : memref<100000x64xf32, #tpu.memory_space<hbm>> -> memref<100000x64xf32, #tpu.memory_space<hbm>>
      tpu.enqueue_indirect_dma source(%dma_start3A_94 : memref<100000x64xf32, #tpu.memory_space<hbm>>) target(%dma_start3A_88 : memref<128x64xf32, #tpu.memory_space<vmem>>) offsets(%dma_start3A_91 : memref<128xi32, #tpu.memory_space<vmem>>) semaphore(%arg18 : memref<!tpu.dma_semaphore, #tpu.memory_space<semaphore_mem>>)
      %add3A_95 = arith.constant 2 : i32
      %add3A_96 = arith.addi %mul3A_72, %add3A_95 : i32
      %dma_start3A_97 = arith.constant 256 : i32
      %dma_start3A_98 = arith.constant 0 : i32
      %dma_start3A_99 = tpu.memref_slice %arg15[%dma_start3A_97, %dma_start3A_98] : memref<640x64xf32, #tpu.memory_space<vmem>> -> memref<128x64xf32, #tpu.memory_space<vmem>>
      %dma_start3A_100 = arith.constant 0 : i32
      %dma_start3A_101 = tpu.memref_slice %arg12[%add3A_96, %dma_start3A_100] : memref<50x128xi32, #tpu.memory_space<vmem>> -> memref<1x128xi32, #tpu.memory_space<vmem>>
      %dma_start3A_102 = tpu.memref_squeeze %dma_start3A_101 : memref<1x128xi32, #tpu.memory_space<vmem>> -> memref<128xi32, #tpu.memory_space<vmem>>
      %dma_start3A_103 = arith.constant 0 : i32
      %dma_start3A_104 = arith.constant 0 : i32
      %dma_start3A_105 = tpu.memref_slice %arg6[%dma_start3A_103, %dma_start3A_104] : memref<100000x64xf32, #tpu.memory_space<hbm>> -> memref<100000x64xf32, #tpu.memory_space<hbm>>
      tpu.enqueue_indirect_dma source(%dma_start3A_105 : memref<100000x64xf32, #tpu.memory_space<hbm>>) target(%dma_start3A_99 : memref<128x64xf32, #tpu.memory_space<vmem>>) offsets(%dma_start3A_102 : memref<128xi32, #tpu.memory_space<vmem>>) semaphore(%arg18 : memref<!tpu.dma_semaphore, #tpu.memory_space<semaphore_mem>>)
      %add3A_106 = arith.constant 3 : i32
      %add3A_107 = arith.addi %mul3A_72, %add3A_106 : i32
      %dma_start3A_108 = arith.constant 384 : i32
      %dma_start3A_109 = arith.constant 0 : i32
      %dma_start3A_110 = tpu.memref_slice %arg15[%dma_start3A_108, %dma_start3A_109] : memref<640x64xf32, #tpu.memory_space<vmem>> -> memref<128x64xf32, #tpu.memory_space<vmem>>
      %dma_start3A_111 = arith.constant 0 : i32
      %dma_start3A_112 = tpu.memref_slice %arg12[%add3A_107, %dma_start3A_111] : memref<50x128xi32, #tpu.memory_space<vmem>> -> memref<1x128xi32, #tpu.memory_space<vmem>>
      %dma_start3A_113 = tpu.memref_squeeze %dma_start3A_112 : memref<1x128xi32, #tpu.memory_space<vmem>> -> memref<128xi32, #tpu.memory_space<vmem>>
      %dma_start3A_114 = arith.constant 0 : i32
      %dma_start3A_115 = arith.constant 0 : i32
      %dma_start3A_116 = tpu.memref_slice %arg6[%dma_start3A_114, %dma_start3A_115] : memref<100000x64xf32, #tpu.memory_space<hbm>> -> memref<100000x64xf32, #tpu.memory_space<hbm>>
      tpu.enqueue_indirect_dma source(%dma_start3A_116 : memref<100000x64xf32, #tpu.memory_space<hbm>>) target(%dma_start3A_110 : memref<128x64xf32, #tpu.memory_space<vmem>>) offsets(%dma_start3A_113 : memref<128xi32, #tpu.memory_space<vmem>>) semaphore(%arg18 : memref<!tpu.dma_semaphore, #tpu.memory_space<semaphore_mem>>)
      %add3A_117 = arith.constant 4 : i32
      %add3A_118 = arith.addi %mul3A_72, %add3A_117 : i32
      %dma_start3A_119 = arith.constant 512 : i32
      %dma_start3A_120 = arith.constant 0 : i32
      %dma_start3A_121 = tpu.memref_slice %arg15[%dma_start3A_119, %dma_start3A_120] : memref<640x64xf32, #tpu.memory_space<vmem>> -> memref<128x64xf32, #tpu.memory_space<vmem>>
      %dma_start3A_122 = arith.constant 0 : i32
      %dma_start3A_123 = tpu.memref_slice %arg12[%add3A_118, %dma_start3A_122] : memref<50x128xi32, #tpu.memory_space<vmem>> -> memref<1x128xi32, #tpu.memory_space<vmem>>
      %dma_start3A_124 = tpu.memref_squeeze %dma_start3A_123 : memref<1x128xi32, #tpu.memory_space<vmem>> -> memref<128xi32, #tpu.memory_space<vmem>>
      %dma_start3A_125 = arith.constant 0 : i32
      %dma_start3A_126 = arith.constant 0 : i32
      %dma_start3A_127 = tpu.memref_slice %arg6[%dma_start3A_125, %dma_start3A_126] : memref<100000x64xf32, #tpu.memory_space<hbm>> -> memref<100000x64xf32, #tpu.memory_space<hbm>>
      tpu.enqueue_indirect_dma source(%dma_start3A_127 : memref<100000x64xf32, #tpu.memory_space<hbm>>) target(%dma_start3A_121 : memref<128x64xf32, #tpu.memory_space<vmem>>) offsets(%dma_start3A_124 : memref<128xi32, #tpu.memory_space<vmem>>) semaphore(%arg18 : memref<!tpu.dma_semaphore, #tpu.memory_space<semaphore_mem>>)
      %add3A_128 = arith.constant 0 : i32
      %add3A_129 = arith.addi %mul3A_72, %add3A_128 : i32
      %dma_start3A_130 = arith.constant 0 : i32
      %dma_start3A_131 = arith.constant 0 : i32
      %dma_start3A_132 = tpu.memref_slice %arg16[%dma_start3A_130, %dma_start3A_131] : memref<640x64xf32, #tpu.memory_space<vmem>> -> memref<128x64xf32, #tpu.memory_space<vmem>>
      %dma_start3A_133 = arith.constant 0 : i32
      %dma_start3A_134 = tpu.memref_slice %arg13[%add3A_129, %dma_start3A_133] : memref<50x128xi32, #tpu.memory_space<vmem>> -> memref<1x128xi32, #tpu.memory_space<vmem>>
      %dma_start3A_135 = tpu.memref_squeeze %dma_start3A_134 : memref<1x128xi32, #tpu.memory_space<vmem>> -> memref<128xi32, #tpu.memory_space<vmem>>
      %dma_start3A_136 = arith.constant 0 : i32
      %dma_start3A_137 = arith.constant 0 : i32
      %dma_start3A_138 = tpu.memref_slice %arg7[%dma_start3A_136, %dma_start3A_137] : memref<100x64xf32, #tpu.memory_space<hbm>> -> memref<100x64xf32, #tpu.memory_space<hbm>>
      tpu.enqueue_indirect_dma source(%dma_start3A_138 : memref<100x64xf32, #tpu.memory_space<hbm>>) target(%dma_start3A_132 : memref<128x64xf32, #tpu.memory_space<vmem>>) offsets(%dma_start3A_135 : memref<128xi32, #tpu.memory_space<vmem>>) semaphore(%arg19 : memref<!tpu.dma_semaphore, #tpu.memory_space<semaphore_mem>>)
      %add3A_139 = arith.constant 1 : i32
      %add3A_140 = arith.addi %mul3A_72, %add3A_139 : i32
      %dma_start3A_141 = arith.constant 128 : i32
      %dma_start3A_142 = arith.constant 0 : i32
      %dma_start3A_143 = tpu.memref_slice %arg16[%dma_start3A_141, %dma_start3A_142] : memref<640x64xf32, #tpu.memory_space<vmem>> -> memref<128x64xf32, #tpu.memory_space<vmem>>
      %dma_start3A_144 = arith.constant 0 : i32
      %dma_start3A_145 = tpu.memref_slice %arg13[%add3A_140, %dma_start3A_144] : memref<50x128xi32, #tpu.memory_space<vmem>> -> memref<1x128xi32, #tpu.memory_space<vmem>>
      %dma_start3A_146 = tpu.memref_squeeze %dma_start3A_145 : memref<1x128xi32, #tpu.memory_space<vmem>> -> memref<128xi32, #tpu.memory_space<vmem>>
      %dma_start3A_147 = arith.constant 0 : i32
      %dma_start3A_148 = arith.constant 0 : i32
      %dma_start3A_149 = tpu.memref_slice %arg7[%dma_start3A_147, %dma_start3A_148] : memref<100x64xf32, #tpu.memory_space<hbm>> -> memref<100x64xf32, #tpu.memory_space<hbm>>
      tpu.enqueue_indirect_dma source(%dma_start3A_149 : memref<100x64xf32, #tpu.memory_space<hbm>>) target(%dma_start3A_143 : memref<128x64xf32, #tpu.memory_space<vmem>>) offsets(%dma_start3A_146 : memref<128xi32, #tpu.memory_space<vmem>>) semaphore(%arg19 : memref<!tpu.dma_semaphore, #tpu.memory_space<semaphore_mem>>)
      %add3A_150 = arith.constant 2 : i32
      %add3A_151 = arith.addi %mul3A_72, %add3A_150 : i32
      %dma_start3A_152 = arith.constant 256 : i32
      %dma_start3A_153 = arith.constant 0 : i32
      %dma_start3A_154 = tpu.memref_slice %arg16[%dma_start3A_152, %dma_start3A_153] : memref<640x64xf32, #tpu.memory_space<vmem>> -> memref<128x64xf32, #tpu.memory_space<vmem>>
      %dma_start3A_155 = arith.constant 0 : i32
      %dma_start3A_156 = tpu.memref_slice %arg13[%add3A_151, %dma_start3A_155] : memref<50x128xi32, #tpu.memory_space<vmem>> -> memref<1x128xi32, #tpu.memory_space<vmem>>
      %dma_start3A_157 = tpu.memref_squeeze %dma_start3A_156 : memref<1x128xi32, #tpu.memory_space<vmem>> -> memref<128xi32, #tpu.memory_space<vmem>>
      %dma_start3A_158 = arith.constant 0 : i32
      %dma_start3A_159 = arith.constant 0 : i32
      %dma_start3A_160 = tpu.memref_slice %arg7[%dma_start3A_158, %dma_start3A_159] : memref<100x64xf32, #tpu.memory_space<hbm>> -> memref<100x64xf32, #tpu.memory_space<hbm>>
      tpu.enqueue_indirect_dma source(%dma_start3A_160 : memref<100x64xf32, #tpu.memory_space<hbm>>) target(%dma_start3A_154 : memref<128x64xf32, #tpu.memory_space<vmem>>) offsets(%dma_start3A_157 : memref<128xi32, #tpu.memory_space<vmem>>) semaphore(%arg19 : memref<!tpu.dma_semaphore, #tpu.memory_space<semaphore_mem>>)
      %add3A_161 = arith.constant 3 : i32
      %add3A_162 = arith.addi %mul3A_72, %add3A_161 : i32
      %dma_start3A_163 = arith.constant 384 : i32
      %dma_start3A_164 = arith.constant 0 : i32
      %dma_start3A_165 = tpu.memref_slice %arg16[%dma_start3A_163, %dma_start3A_164] : memref<640x64xf32, #tpu.memory_space<vmem>> -> memref<128x64xf32, #tpu.memory_space<vmem>>
      %dma_start3A_166 = arith.constant 0 : i32
      %dma_start3A_167 = tpu.memref_slice %arg13[%add3A_162, %dma_start3A_166] : memref<50x128xi32, #tpu.memory_space<vmem>> -> memref<1x128xi32, #tpu.memory_space<vmem>>
      %dma_start3A_168 = tpu.memref_squeeze %dma_start3A_167 : memref<1x128xi32, #tpu.memory_space<vmem>> -> memref<128xi32, #tpu.memory_space<vmem>>
      %dma_start3A_169 = arith.constant 0 : i32
      %dma_start3A_170 = arith.constant 0 : i32
      %dma_start3A_171 = tpu.memref_slice %arg7[%dma_start3A_169, %dma_start3A_170] : memref<100x64xf32, #tpu.memory_space<hbm>> -> memref<100x64xf32, #tpu.memory_space<hbm>>
      tpu.enqueue_indirect_dma source(%dma_start3A_171 : memref<100x64xf32, #tpu.memory_space<hbm>>) target(%dma_start3A_165 : memref<128x64xf32, #tpu.memory_space<vmem>>) offsets(%dma_start3A_168 : memref<128xi32, #tpu.memory_space<vmem>>) semaphore(%arg19 : memref<!tpu.dma_semaphore, #tpu.memory_space<semaphore_mem>>)
      %add3A_172 = arith.constant 4 : i32
      %add3A_173 = arith.addi %mul3A_72, %add3A_172 : i32
      %dma_start3A_174 = arith.constant 512 : i32
      %dma_start3A_175 = arith.constant 0 : i32
      %dma_start3A_176 = tpu.memref_slice %arg16[%dma_start3A_174, %dma_start3A_175] : memref<640x64xf32, #tpu.memory_space<vmem>> -> memref<128x64xf32, #tpu.memory_space<vmem>>
      %dma_start3A_177 = arith.constant 0 : i32
      %dma_start3A_178 = tpu.memref_slice %arg13[%add3A_173, %dma_start3A_177] : memref<50x128xi32, #tpu.memory_space<vmem>> -> memref<1x128xi32, #tpu.memory_space<vmem>>
      %dma_start3A_179 = tpu.memref_squeeze %dma_start3A_178 : memref<1x128xi32, #tpu.memory_space<vmem>> -> memref<128xi32, #tpu.memory_space<vmem>>
      %dma_start3A_180 = arith.constant 0 : i32
      %dma_start3A_181 = arith.constant 0 : i32
      %dma_start3A_182 = tpu.memref_slice %arg7[%dma_start3A_180, %dma_start3A_181] : memref<100x64xf32, #tpu.memory_space<hbm>> -> memref<100x64xf32, #tpu.memory_space<hbm>>
      tpu.enqueue_indirect_dma source(%dma_start3A_182 : memref<100x64xf32, #tpu.memory_space<hbm>>) target(%dma_start3A_176 : memref<128x64xf32, #tpu.memory_space<vmem>>) offsets(%dma_start3A_179 : memref<128xi32, #tpu.memory_space<vmem>>) semaphore(%arg19 : memref<!tpu.dma_semaphore, #tpu.memory_space<semaphore_mem>>)
      %add3A_183 = arith.constant 0 : i32
      %add3A_184 = arith.addi %mul3A_72, %add3A_183 : i32
      %mul3A_185 = arith.constant 128 : i32
      %mul3A_186 = arith.muli %add3A_184, %mul3A_185 : i32
      %add3A_187 = arith.addi %mul3A_64, %mul3A_186 : i32
      %jit3A = arith.constant 4096 : i32
      %div3A = arith.divsi %add3A_187, %jit3A : i32
      %sign3A = arith.constant 0 : i32
      %sign3A_188 = arith.cmpi sgt, %add3A_187, %sign3A : i32
      %sign3A_189 = arith.extui %sign3A_188 : i1 to i32
      %sign3A_190 = arith.constant 0 : i32
      %sign3A_191 = arith.cmpi slt, %add3A_187, %sign3A_190 : i32
      %sign3A_192 = arith.extui %sign3A_191 : i1 to i32
      %sign3A_193 = arith.subi %sign3A_189, %sign3A_192 : i32
      %sign3A_194 = arith.constant 0 : i32
      %sign3A_195 = arith.cmpi sgt, %jit3A, %sign3A_194 : i32
      %sign3A_196 = arith.extui %sign3A_195 : i1 to i32
      %sign3A_197 = arith.constant 0 : i32
      %sign3A_198 = arith.cmpi slt, %jit3A, %sign3A_197 : i32
      %sign3A_199 = arith.extui %sign3A_198 : i1 to i32
      %sign3A_200 = arith.subi %sign3A_196, %sign3A_199 : i32
      %ne3A = arith.cmpi ne, %sign3A_193, %sign3A_200 : i32
      %rem3A = arith.remsi %add3A_187, %jit3A : i32
      %ne3A_201 = arith.constant 0 : i32
      %ne3A_202 = arith.cmpi ne, %rem3A, %ne3A_201 : i32
      %and3A = arith.andi %ne3A, %ne3A_202 : i1
      %sub3A = arith.constant 1 : i32
      %sub3A_203 = arith.subi %div3A, %sub3A : i32
      %select_n3A = arith.select %and3A, %sub3A_203, %div3A : i32
      %mul3A_204 = arith.constant 4096 : i32
      %mul3A_205 = arith.muli %select_n3A, %mul3A_204 : i32
      %sub3A_206 = arith.subi %add3A_187, %mul3A_205 : i32
      %dma_wait3A_207 = arith.constant 0 : i32
      %dma_wait3A_208 = arith.constant 0 : i32
      %dma_wait3A_209 = tpu.memref_slice %arg15[%dma_wait3A_207, %dma_wait3A_208] : memref<640x64xf32, #tpu.memory_space<vmem>> -> memref<128x64xf32, #tpu.memory_space<vmem>>
      %dma_wait3A_210 = arith.constant 0 : i32
      %dma_wait3A_211 = tpu.memref_slice %arg12[%add3A_74, %dma_wait3A_210] : memref<50x128xi32, #tpu.memory_space<vmem>> -> memref<1x128xi32, #tpu.memory_space<vmem>>
      %dma_wait3A_212 = tpu.memref_squeeze %dma_wait3A_211 : memref<1x128xi32, #tpu.memory_space<vmem>> -> memref<128xi32, #tpu.memory_space<vmem>>
      %dma_wait3A_213 = arith.constant 0 : i32
      %dma_wait3A_214 = arith.constant 0 : i32
      %dma_wait3A_215 = tpu.memref_slice %arg6[%dma_wait3A_213, %dma_wait3A_214] : memref<100000x64xf32, #tpu.memory_space<hbm>> -> memref<100000x64xf32, #tpu.memory_space<hbm>>
      tpu.wait_indirect_dma semaphore(%arg18 : memref<!tpu.dma_semaphore, #tpu.memory_space<semaphore_mem>>) src(%dma_wait3A_215 : memref<100000x64xf32, #tpu.memory_space<hbm>>) dst(%dma_wait3A_209 : memref<128x64xf32, #tpu.memory_space<vmem>>)
      %dma_start3A_216 = arith.constant 0 : i32
      %dma_start3A_217 = arith.constant 0 : i32
      %dma_start3A_218 = tpu.memref_slice %arg15[%dma_start3A_216, %dma_start3A_217] : memref<640x64xf32, #tpu.memory_space<vmem>> -> memref<128x64xf32, #tpu.memory_space<vmem>>
      %dma_start3A_219 = arith.constant 0 : i32
      %dma_start3A_220 = tpu.memref_slice %arg9[%select_n3A, %sub3A_206, %dma_start3A_219] : memref<50x4096x128xf32, #tpu.memory_space<hbm>> -> memref<1x128x64xf32, #tpu.memory_space<hbm>>
      %dma_start3A_221 = tpu.memref_squeeze %dma_start3A_220 : memref<1x128x64xf32, #tpu.memory_space<hbm>> -> memref<128x64xf32, #tpu.memory_space<hbm>>
      %dma_start3A_222 = arith.constant 0 : i32
      %dma_start3A_223 = tpu.memref_slice %arg9[%select_n3A, %sub3A_206, %dma_start3A_222] : memref<50x4096x128xf32, #tpu.memory_space<hbm>> -> memref<1x128x64xf32, #tpu.memory_space<hbm>>
      %dma_start3A_224 = tpu.memref_squeeze %dma_start3A_223 : memref<1x128x64xf32, #tpu.memory_space<hbm>> -> memref<128x64xf32, #tpu.memory_space<hbm>>
      %dma_start3A_225 = arith.constant 0 : i32
      %dma_start3A_226 = arith.constant 0 : i32
      %dma_start3A_227 = tpu.memref_slice %arg15[%dma_start3A_225, %dma_start3A_226] : memref<640x64xf32, #tpu.memory_space<vmem>> -> memref<128x64xf32, #tpu.memory_space<vmem>>
      tpu.enqueue_dma source(%dma_start3A_227 : memref<128x64xf32, #tpu.memory_space<vmem>>) target(%dma_start3A_224 : memref<128x64xf32, #tpu.memory_space<hbm>>) target_semaphore(%arg20 : memref<!tpu.dma_semaphore, #tpu.memory_space<semaphore_mem>>)
      %add3A_228 = arith.constant 1 : i32
      %add3A_229 = arith.addi %mul3A_72, %add3A_228 : i32
      %mul3A_230 = arith.constant 128 : i32
      %mul3A_231 = arith.muli %add3A_229, %mul3A_230 : i32
      %add3A_232 = arith.addi %mul3A_64, %mul3A_231 : i32
      %jit3A_233 = arith.constant 4096 : i32
      %div3A_234 = arith.divsi %add3A_232, %jit3A_233 : i32
      %sign3A_235 = arith.constant 0 : i32
      %sign3A_236 = arith.cmpi sgt, %add3A_232, %sign3A_235 : i32
      %sign3A_237 = arith.extui %sign3A_236 : i1 to i32
      %sign3A_238 = arith.constant 0 : i32
      %sign3A_239 = arith.cmpi slt, %add3A_232, %sign3A_238 : i32
      %sign3A_240 = arith.extui %sign3A_239 : i1 to i32
      %sign3A_241 = arith.subi %sign3A_237, %sign3A_240 : i32
      %sign3A_242 = arith.constant 0 : i32
      %sign3A_243 = arith.cmpi sgt, %jit3A_233, %sign3A_242 : i32
      %sign3A_244 = arith.extui %sign3A_243 : i1 to i32
      %sign3A_245 = arith.constant 0 : i32
      %sign3A_246 = arith.cmpi slt, %jit3A_233, %sign3A_245 : i32
      %sign3A_247 = arith.extui %sign3A_246 : i1 to i32
      %sign3A_248 = arith.subi %sign3A_244, %sign3A_247 : i32
      %ne3A_249 = arith.cmpi ne, %sign3A_241, %sign3A_248 : i32
      %rem3A_250 = arith.remsi %add3A_232, %jit3A_233 : i32
      %ne3A_251 = arith.constant 0 : i32
      %ne3A_252 = arith.cmpi ne, %rem3A_250, %ne3A_251 : i32
      %and3A_253 = arith.andi %ne3A_249, %ne3A_252 : i1
      %sub3A_254 = arith.constant 1 : i32
      %sub3A_255 = arith.subi %div3A_234, %sub3A_254 : i32
      %select_n3A_256 = arith.select %and3A_253, %sub3A_255, %div3A_234 : i32
      %mul3A_257 = arith.constant 4096 : i32
      %mul3A_258 = arith.muli %select_n3A_256, %mul3A_257 : i32
      %sub3A_259 = arith.subi %add3A_232, %mul3A_258 : i32
      %dma_wait3A_260 = arith.constant 128 : i32
      %dma_wait3A_261 = arith.constant 0 : i32
      %dma_wait3A_262 = tpu.memref_slice %arg15[%dma_wait3A_260, %dma_wait3A_261] : memref<640x64xf32, #tpu.memory_space<vmem>> -> memref<128x64xf32, #tpu.memory_space<vmem>>
      %dma_wait3A_263 = arith.constant 0 : i32
      %dma_wait3A_264 = tpu.memref_slice %arg12[%add3A_85, %dma_wait3A_263] : memref<50x128xi32, #tpu.memory_space<vmem>> -> memref<1x128xi32, #tpu.memory_space<vmem>>
      %dma_wait3A_265 = tpu.memref_squeeze %dma_wait3A_264 : memref<1x128xi32, #tpu.memory_space<vmem>> -> memref<128xi32, #tpu.memory_space<vmem>>
      %dma_wait3A_266 = arith.constant 0 : i32
      %dma_wait3A_267 = arith.constant 0 : i32
      %dma_wait3A_268 = tpu.memref_slice %arg6[%dma_wait3A_266, %dma_wait3A_267] : memref<100000x64xf32, #tpu.memory_space<hbm>> -> memref<100000x64xf32, #tpu.memory_space<hbm>>
      tpu.wait_indirect_dma semaphore(%arg18 : memref<!tpu.dma_semaphore, #tpu.memory_space<semaphore_mem>>) src(%dma_wait3A_268 : memref<100000x64xf32, #tpu.memory_space<hbm>>) dst(%dma_wait3A_262 : memref<128x64xf32, #tpu.memory_space<vmem>>)
      %dma_start3A_269 = arith.constant 128 : i32
      %dma_start3A_270 = arith.constant 0 : i32
      %dma_start3A_271 = tpu.memref_slice %arg15[%dma_start3A_269, %dma_start3A_270] : memref<640x64xf32, #tpu.memory_space<vmem>> -> memref<128x64xf32, #tpu.memory_space<vmem>>
      %dma_start3A_272 = arith.constant 0 : i32
      %dma_start3A_273 = tpu.memref_slice %arg9[%select_n3A_256, %sub3A_259, %dma_start3A_272] : memref<50x4096x128xf32, #tpu.memory_space<hbm>> -> memref<1x128x64xf32, #tpu.memory_space<hbm>>
      %dma_start3A_274 = tpu.memref_squeeze %dma_start3A_273 : memref<1x128x64xf32, #tpu.memory_space<hbm>> -> memref<128x64xf32, #tpu.memory_space<hbm>>
      %dma_start3A_275 = arith.constant 0 : i32
      %dma_start3A_276 = tpu.memref_slice %arg9[%select_n3A_256, %sub3A_259, %dma_start3A_275] : memref<50x4096x128xf32, #tpu.memory_space<hbm>> -> memref<1x128x64xf32, #tpu.memory_space<hbm>>
      %dma_start3A_277 = tpu.memref_squeeze %dma_start3A_276 : memref<1x128x64xf32, #tpu.memory_space<hbm>> -> memref<128x64xf32, #tpu.memory_space<hbm>>
      %dma_start3A_278 = arith.constant 128 : i32
      %dma_start3A_279 = arith.constant 0 : i32
      %dma_start3A_280 = tpu.memref_slice %arg15[%dma_start3A_278, %dma_start3A_279] : memref<640x64xf32, #tpu.memory_space<vmem>> -> memref<128x64xf32, #tpu.memory_space<vmem>>
      tpu.enqueue_dma source(%dma_start3A_280 : memref<128x64xf32, #tpu.memory_space<vmem>>) target(%dma_start3A_277 : memref<128x64xf32, #tpu.memory_space<hbm>>) target_semaphore(%arg20 : memref<!tpu.dma_semaphore, #tpu.memory_space<semaphore_mem>>)
      %add3A_281 = arith.constant 2 : i32
      %add3A_282 = arith.addi %mul3A_72, %add3A_281 : i32
      %mul3A_283 = arith.constant 128 : i32
      %mul3A_284 = arith.muli %add3A_282, %mul3A_283 : i32
      %add3A_285 = arith.addi %mul3A_64, %mul3A_284 : i32
      %jit3A_286 = arith.constant 4096 : i32
      %div3A_287 = arith.divsi %add3A_285, %jit3A_286 : i32
      %sign3A_288 = arith.constant 0 : i32
      %sign3A_289 = arith.cmpi sgt, %add3A_285, %sign3A_288 : i32
      %sign3A_290 = arith.extui %sign3A_289 : i1 to i32
      %sign3A_291 = arith.constant 0 : i32
      %sign3A_292 = arith.cmpi slt, %add3A_285, %sign3A_291 : i32
      %sign3A_293 = arith.extui %sign3A_292 : i1 to i32
      %sign3A_294 = arith.subi %sign3A_290, %sign3A_293 : i32
      %sign3A_295 = arith.constant 0 : i32
      %sign3A_296 = arith.cmpi sgt, %jit3A_286, %sign3A_295 : i32
      %sign3A_297 = arith.extui %sign3A_296 : i1 to i32
      %sign3A_298 = arith.constant 0 : i32
      %sign3A_299 = arith.cmpi slt, %jit3A_286, %sign3A_298 : i32
      %sign3A_300 = arith.extui %sign3A_299 : i1 to i32
      %sign3A_301 = arith.subi %sign3A_297, %sign3A_300 : i32
      %ne3A_302 = arith.cmpi ne, %sign3A_294, %sign3A_301 : i32
      %rem3A_303 = arith.remsi %add3A_285, %jit3A_286 : i32
      %ne3A_304 = arith.constant 0 : i32
      %ne3A_305 = arith.cmpi ne, %rem3A_303, %ne3A_304 : i32
      %and3A_306 = arith.andi %ne3A_302, %ne3A_305 : i1
      %sub3A_307 = arith.constant 1 : i32
      %sub3A_308 = arith.subi %div3A_287, %sub3A_307 : i32
      %select_n3A_309 = arith.select %and3A_306, %sub3A_308, %div3A_287 : i32
      %mul3A_310 = arith.constant 4096 : i32
      %mul3A_311 = arith.muli %select_n3A_309, %mul3A_310 : i32
      %sub3A_312 = arith.subi %add3A_285, %mul3A_311 : i32
      %dma_wait3A_313 = arith.constant 256 : i32
      %dma_wait3A_314 = arith.constant 0 : i32
      %dma_wait3A_315 = tpu.memref_slice %arg15[%dma_wait3A_313, %dma_wait3A_314] : memref<640x64xf32, #tpu.memory_space<vmem>> -> memref<128x64xf32, #tpu.memory_space<vmem>>
      %dma_wait3A_316 = arith.constant 0 : i32
      %dma_wait3A_317 = tpu.memref_slice %arg12[%add3A_96, %dma_wait3A_316] : memref<50x128xi32, #tpu.memory_space<vmem>> -> memref<1x128xi32, #tpu.memory_space<vmem>>
      %dma_wait3A_318 = tpu.memref_squeeze %dma_wait3A_317 : memref<1x128xi32, #tpu.memory_space<vmem>> -> memref<128xi32, #tpu.memory_space<vmem>>
      %dma_wait3A_319 = arith.constant 0 : i32
      %dma_wait3A_320 = arith.constant 0 : i32
      %dma_wait3A_321 = tpu.memref_slice %arg6[%dma_wait3A_319, %dma_wait3A_320] : memref<100000x64xf32, #tpu.memory_space<hbm>> -> memref<100000x64xf32, #tpu.memory_space<hbm>>
      tpu.wait_indirect_dma semaphore(%arg18 : memref<!tpu.dma_semaphore, #tpu.memory_space<semaphore_mem>>) src(%dma_wait3A_321 : memref<100000x64xf32, #tpu.memory_space<hbm>>) dst(%dma_wait3A_315 : memref<128x64xf32, #tpu.memory_space<vmem>>)
      %dma_start3A_322 = arith.constant 256 : i32
      %dma_start3A_323 = arith.constant 0 : i32
      %dma_start3A_324 = tpu.memref_slice %arg15[%dma_start3A_322, %dma_start3A_323] : memref<640x64xf32, #tpu.memory_space<vmem>> -> memref<128x64xf32, #tpu.memory_space<vmem>>
      %dma_start3A_325 = arith.constant 0 : i32
      %dma_start3A_326 = tpu.memref_slice %arg9[%select_n3A_309, %sub3A_312, %dma_start3A_325] : memref<50x4096x128xf32, #tpu.memory_space<hbm>> -> memref<1x128x64xf32, #tpu.memory_space<hbm>>
      %dma_start3A_327 = tpu.memref_squeeze %dma_start3A_326 : memref<1x128x64xf32, #tpu.memory_space<hbm>> -> memref<128x64xf32, #tpu.memory_space<hbm>>
      %dma_start3A_328 = arith.constant 0 : i32
      %dma_start3A_329 = tpu.memref_slice %arg9[%select_n3A_309, %sub3A_312, %dma_start3A_328] : memref<50x4096x128xf32, #tpu.memory_space<hbm>> -> memref<1x128x64xf32, #tpu.memory_space<hbm>>
      %dma_start3A_330 = tpu.memref_squeeze %dma_start3A_329 : memref<1x128x64xf32, #tpu.memory_space<hbm>> -> memref<128x64xf32, #tpu.memory_space<hbm>>
      %dma_start3A_331 = arith.constant 256 : i32
      %dma_start3A_332 = arith.constant 0 : i32
      %dma_start3A_333 = tpu.memref_slice %arg15[%dma_start3A_331, %dma_start3A_332] : memref<640x64xf32, #tpu.memory_space<vmem>> -> memref<128x64xf32, #tpu.memory_space<vmem>>
      tpu.enqueue_dma source(%dma_start3A_333 : memref<128x64xf32, #tpu.memory_space<vmem>>) target(%dma_start3A_330 : memref<128x64xf32, #tpu.memory_space<hbm>>) target_semaphore(%arg20 : memref<!tpu.dma_semaphore, #tpu.memory_space<semaphore_mem>>)
      %add3A_334 = arith.constant 3 : i32
      %add3A_335 = arith.addi %mul3A_72, %add3A_334 : i32
      %mul3A_336 = arith.constant 128 : i32
      %mul3A_337 = arith.muli %add3A_335, %mul3A_336 : i32
      %add3A_338 = arith.addi %mul3A_64, %mul3A_337 : i32
      %jit3A_339 = arith.constant 4096 : i32
      %div3A_340 = arith.divsi %add3A_338, %jit3A_339 : i32
      %sign3A_341 = arith.constant 0 : i32
      %sign3A_342 = arith.cmpi sgt, %add3A_338, %sign3A_341 : i32
      %sign3A_343 = arith.extui %sign3A_342 : i1 to i32
      %sign3A_344 = arith.constant 0 : i32
      %sign3A_345 = arith.cmpi slt, %add3A_338, %sign3A_344 : i32
      %sign3A_346 = arith.extui %sign3A_345 : i1 to i32
      %sign3A_347 = arith.subi %sign3A_343, %sign3A_346 : i32
      %sign3A_348 = arith.constant 0 : i32
      %sign3A_349 = arith.cmpi sgt, %jit3A_339, %sign3A_348 : i32
      %sign3A_350 = arith.extui %sign3A_349 : i1 to i32
      %sign3A_351 = arith.constant 0 : i32
      %sign3A_352 = arith.cmpi slt, %jit3A_339, %sign3A_351 : i32
      %sign3A_353 = arith.extui %sign3A_352 : i1 to i32
      %sign3A_354 = arith.subi %sign3A_350, %sign3A_353 : i32
      %ne3A_355 = arith.cmpi ne, %sign3A_347, %sign3A_354 : i32
      %rem3A_356 = arith.remsi %add3A_338, %jit3A_339 : i32
      %ne3A_357 = arith.constant 0 : i32
      %ne3A_358 = arith.cmpi ne, %rem3A_356, %ne3A_357 : i32
      %and3A_359 = arith.andi %ne3A_355, %ne3A_358 : i1
      %sub3A_360 = arith.constant 1 : i32
      %sub3A_361 = arith.subi %div3A_340, %sub3A_360 : i32
      %select_n3A_362 = arith.select %and3A_359, %sub3A_361, %div3A_340 : i32
      %mul3A_363 = arith.constant 4096 : i32
      %mul3A_364 = arith.muli %select_n3A_362, %mul3A_363 : i32
      %sub3A_365 = arith.subi %add3A_338, %mul3A_364 : i32
      %dma_wait3A_366 = arith.constant 384 : i32
      %dma_wait3A_367 = arith.constant 0 : i32
      %dma_wait3A_368 = tpu.memref_slice %arg15[%dma_wait3A_366, %dma_wait3A_367] : memref<640x64xf32, #tpu.memory_space<vmem>> -> memref<128x64xf32, #tpu.memory_space<vmem>>
      %dma_wait3A_369 = arith.constant 0 : i32
      %dma_wait3A_370 = tpu.memref_slice %arg12[%add3A_107, %dma_wait3A_369] : memref<50x128xi32, #tpu.memory_space<vmem>> -> memref<1x128xi32, #tpu.memory_space<vmem>>
      %dma_wait3A_371 = tpu.memref_squeeze %dma_wait3A_370 : memref<1x128xi32, #tpu.memory_space<vmem>> -> memref<128xi32, #tpu.memory_space<vmem>>
      %dma_wait3A_372 = arith.constant 0 : i32
      %dma_wait3A_373 = arith.constant 0 : i32
      %dma_wait3A_374 = tpu.memref_slice %arg6[%dma_wait3A_372, %dma_wait3A_373] : memref<100000x64xf32, #tpu.memory_space<hbm>> -> memref<100000x64xf32, #tpu.memory_space<hbm>>
      tpu.wait_indirect_dma semaphore(%arg18 : memref<!tpu.dma_semaphore, #tpu.memory_space<semaphore_mem>>) src(%dma_wait3A_374 : memref<100000x64xf32, #tpu.memory_space<hbm>>) dst(%dma_wait3A_368 : memref<128x64xf32, #tpu.memory_space<vmem>>)
      %dma_start3A_375 = arith.constant 384 : i32
      %dma_start3A_376 = arith.constant 0 : i32
      %dma_start3A_377 = tpu.memref_slice %arg15[%dma_start3A_375, %dma_start3A_376] : memref<640x64xf32, #tpu.memory_space<vmem>> -> memref<128x64xf32, #tpu.memory_space<vmem>>
      %dma_start3A_378 = arith.constant 0 : i32
      %dma_start3A_379 = tpu.memref_slice %arg9[%select_n3A_362, %sub3A_365, %dma_start3A_378] : memref<50x4096x128xf32, #tpu.memory_space<hbm>> -> memref<1x128x64xf32, #tpu.memory_space<hbm>>
      %dma_start3A_380 = tpu.memref_squeeze %dma_start3A_379 : memref<1x128x64xf32, #tpu.memory_space<hbm>> -> memref<128x64xf32, #tpu.memory_space<hbm>>
      %dma_start3A_381 = arith.constant 0 : i32
      %dma_start3A_382 = tpu.memref_slice %arg9[%select_n3A_362, %sub3A_365, %dma_start3A_381] : memref<50x4096x128xf32, #tpu.memory_space<hbm>> -> memref<1x128x64xf32, #tpu.memory_space<hbm>>
      %dma_start3A_383 = tpu.memref_squeeze %dma_start3A_382 : memref<1x128x64xf32, #tpu.memory_space<hbm>> -> memref<128x64xf32, #tpu.memory_space<hbm>>
      %dma_start3A_384 = arith.constant 384 : i32
      %dma_start3A_385 = arith.constant 0 : i32
      %dma_start3A_386 = tpu.memref_slice %arg15[%dma_start3A_384, %dma_start3A_385] : memref<640x64xf32, #tpu.memory_space<vmem>> -> memref<128x64xf32, #tpu.memory_space<vmem>>
      tpu.enqueue_dma source(%dma_start3A_386 : memref<128x64xf32, #tpu.memory_space<vmem>>) target(%dma_start3A_383 : memref<128x64xf32, #tpu.memory_space<hbm>>) target_semaphore(%arg20 : memref<!tpu.dma_semaphore, #tpu.memory_space<semaphore_mem>>)
      %add3A_387 = arith.constant 4 : i32
      %add3A_388 = arith.addi %mul3A_72, %add3A_387 : i32
      %mul3A_389 = arith.constant 128 : i32
      %mul3A_390 = arith.muli %add3A_388, %mul3A_389 : i32
      %add3A_391 = arith.addi %mul3A_64, %mul3A_390 : i32
      %jit3A_392 = arith.constant 4096 : i32
      %div3A_393 = arith.divsi %add3A_391, %jit3A_392 : i32
      %sign3A_394 = arith.constant 0 : i32
      %sign3A_395 = arith.cmpi sgt, %add3A_391, %sign3A_394 : i32
      %sign3A_396 = arith.extui %sign3A_395 : i1 to i32
      %sign3A_397 = arith.constant 0 : i32
      %sign3A_398 = arith.cmpi slt, %add3A_391, %sign3A_397 : i32
      %sign3A_399 = arith.extui %sign3A_398 : i1 to i32
      %sign3A_400 = arith.subi %sign3A_396, %sign3A_399 : i32
      %sign3A_401 = arith.constant 0 : i32
      %sign3A_402 = arith.cmpi sgt, %jit3A_392, %sign3A_401 : i32
      %sign3A_403 = arith.extui %sign3A_402 : i1 to i32
      %sign3A_404 = arith.constant 0 : i32
      %sign3A_405 = arith.cmpi slt, %jit3A_392, %sign3A_404 : i32
      %sign3A_406 = arith.extui %sign3A_405 : i1 to i32
      %sign3A_407 = arith.subi %sign3A_403, %sign3A_406 : i32
      %ne3A_408 = arith.cmpi ne, %sign3A_400, %sign3A_407 : i32
      %rem3A_409 = arith.remsi %add3A_391, %jit3A_392 : i32
      %ne3A_410 = arith.constant 0 : i32
      %ne3A_411 = arith.cmpi ne, %rem3A_409, %ne3A_410 : i32
      %and3A_412 = arith.andi %ne3A_408, %ne3A_411 : i1
      %sub3A_413 = arith.constant 1 : i32
      %sub3A_414 = arith.subi %div3A_393, %sub3A_413 : i32
      %select_n3A_415 = arith.select %and3A_412, %sub3A_414, %div3A_393 : i32
      %mul3A_416 = arith.constant 4096 : i32
      %mul3A_417 = arith.muli %select_n3A_415, %mul3A_416 : i32
      %sub3A_418 = arith.subi %add3A_391, %mul3A_417 : i32
      %dma_wait3A_419 = arith.constant 512 : i32
      %dma_wait3A_420 = arith.constant 0 : i32
      %dma_wait3A_421 = tpu.memref_slice %arg15[%dma_wait3A_419, %dma_wait3A_420] : memref<640x64xf32, #tpu.memory_space<vmem>> -> memref<128x64xf32, #tpu.memory_space<vmem>>
      %dma_wait3A_422 = arith.constant 0 : i32
      %dma_wait3A_423 = tpu.memref_slice %arg12[%add3A_118, %dma_wait3A_422] : memref<50x128xi32, #tpu.memory_space<vmem>> -> memref<1x128xi32, #tpu.memory_space<vmem>>
      %dma_wait3A_424 = tpu.memref_squeeze %dma_wait3A_423 : memref<1x128xi32, #tpu.memory_space<vmem>> -> memref<128xi32, #tpu.memory_space<vmem>>
      %dma_wait3A_425 = arith.constant 0 : i32
      %dma_wait3A_426 = arith.constant 0 : i32
      %dma_wait3A_427 = tpu.memref_slice %arg6[%dma_wait3A_425, %dma_wait3A_426] : memref<100000x64xf32, #tpu.memory_space<hbm>> -> memref<100000x64xf32, #tpu.memory_space<hbm>>
      tpu.wait_indirect_dma semaphore(%arg18 : memref<!tpu.dma_semaphore, #tpu.memory_space<semaphore_mem>>) src(%dma_wait3A_427 : memref<100000x64xf32, #tpu.memory_space<hbm>>) dst(%dma_wait3A_421 : memref<128x64xf32, #tpu.memory_space<vmem>>)
      %dma_start3A_428 = arith.constant 512 : i32
      %dma_start3A_429 = arith.constant 0 : i32
      %dma_start3A_430 = tpu.memref_slice %arg15[%dma_start3A_428, %dma_start3A_429] : memref<640x64xf32, #tpu.memory_space<vmem>> -> memref<128x64xf32, #tpu.memory_space<vmem>>
      %dma_start3A_431 = arith.constant 0 : i32
      %dma_start3A_432 = tpu.memref_slice %arg9[%select_n3A_415, %sub3A_418, %dma_start3A_431] : memref<50x4096x128xf32, #tpu.memory_space<hbm>> -> memref<1x128x64xf32, #tpu.memory_space<hbm>>
      %dma_start3A_433 = tpu.memref_squeeze %dma_start3A_432 : memref<1x128x64xf32, #tpu.memory_space<hbm>> -> memref<128x64xf32, #tpu.memory_space<hbm>>
      %dma_start3A_434 = arith.constant 0 : i32
      %dma_start3A_435 = tpu.memref_slice %arg9[%select_n3A_415, %sub3A_418, %dma_start3A_434] : memref<50x4096x128xf32, #tpu.memory_space<hbm>> -> memref<1x128x64xf32, #tpu.memory_space<hbm>>
      %dma_start3A_436 = tpu.memref_squeeze %dma_start3A_435 : memref<1x128x64xf32, #tpu.memory_space<hbm>> -> memref<128x64xf32, #tpu.memory_space<hbm>>
      %dma_start3A_437 = arith.constant 512 : i32
      %dma_start3A_438 = arith.constant 0 : i32
      %dma_start3A_439 = tpu.memref_slice %arg15[%dma_start3A_437, %dma_start3A_438] : memref<640x64xf32, #tpu.memory_space<vmem>> -> memref<128x64xf32, #tpu.memory_space<vmem>>
      tpu.enqueue_dma source(%dma_start3A_439 : memref<128x64xf32, #tpu.memory_space<vmem>>) target(%dma_start3A_436 : memref<128x64xf32, #tpu.memory_space<hbm>>) target_semaphore(%arg20 : memref<!tpu.dma_semaphore, #tpu.memory_space<semaphore_mem>>)
      %add3A_440 = arith.constant 0 : i32
      %add3A_441 = arith.addi %mul3A_72, %add3A_440 : i32
      %mul3A_442 = arith.constant 128 : i32
      %mul3A_443 = arith.muli %add3A_441, %mul3A_442 : i32
      %add3A_444 = arith.addi %mul3A_64, %mul3A_443 : i32
      %jit3A_445 = arith.constant 4096 : i32
      %div3A_446 = arith.divsi %add3A_444, %jit3A_445 : i32
      %sign3A_447 = arith.constant 0 : i32
      %sign3A_448 = arith.cmpi sgt, %add3A_444, %sign3A_447 : i32
      %sign3A_449 = arith.extui %sign3A_448 : i1 to i32
      %sign3A_450 = arith.constant 0 : i32
      %sign3A_451 = arith.cmpi slt, %add3A_444, %sign3A_450 : i32
      %sign3A_452 = arith.extui %sign3A_451 : i1 to i32
      %sign3A_453 = arith.subi %sign3A_449, %sign3A_452 : i32
      %sign3A_454 = arith.constant 0 : i32
      %sign3A_455 = arith.cmpi sgt, %jit3A_445, %sign3A_454 : i32
      %sign3A_456 = arith.extui %sign3A_455 : i1 to i32
      %sign3A_457 = arith.constant 0 : i32
      %sign3A_458 = arith.cmpi slt, %jit3A_445, %sign3A_457 : i32
      %sign3A_459 = arith.extui %sign3A_458 : i1 to i32
      %sign3A_460 = arith.subi %sign3A_456, %sign3A_459 : i32
      %ne3A_461 = arith.cmpi ne, %sign3A_453, %sign3A_460 : i32
      %rem3A_462 = arith.remsi %add3A_444, %jit3A_445 : i32
      %ne3A_463 = arith.constant 0 : i32
      %ne3A_464 = arith.cmpi ne, %rem3A_462, %ne3A_463 : i32
      %and3A_465 = arith.andi %ne3A_461, %ne3A_464 : i1
      %sub3A_466 = arith.constant 1 : i32
      %sub3A_467 = arith.subi %div3A_446, %sub3A_466 : i32
      %select_n3A_468 = arith.select %and3A_465, %sub3A_467, %div3A_446 : i32
      %mul3A_469 = arith.constant 4096 : i32
      %mul3A_470 = arith.muli %select_n3A_468, %mul3A_469 : i32
      %sub3A_471 = arith.subi %add3A_444, %mul3A_470 : i32
      %dma_wait3A_472 = arith.constant 0 : i32
      %dma_wait3A_473 = arith.constant 0 : i32
      %dma_wait3A_474 = tpu.memref_slice %arg16[%dma_wait3A_472, %dma_wait3A_473] : memref<640x64xf32, #tpu.memory_space<vmem>> -> memref<128x64xf32, #tpu.memory_space<vmem>>
      %dma_wait3A_475 = arith.constant 0 : i32
      %dma_wait3A_476 = tpu.memref_slice %arg13[%add3A_129, %dma_wait3A_475] : memref<50x128xi32, #tpu.memory_space<vmem>> -> memref<1x128xi32, #tpu.memory_space<vmem>>
      %dma_wait3A_477 = tpu.memref_squeeze %dma_wait3A_476 : memref<1x128xi32, #tpu.memory_space<vmem>> -> memref<128xi32, #tpu.memory_space<vmem>>
      %dma_wait3A_478 = arith.constant 0 : i32
      %dma_wait3A_479 = arith.constant 0 : i32
      %dma_wait3A_480 = tpu.memref_slice %arg7[%dma_wait3A_478, %dma_wait3A_479] : memref<100x64xf32, #tpu.memory_space<hbm>> -> memref<100x64xf32, #tpu.memory_space<hbm>>
      tpu.wait_indirect_dma semaphore(%arg19 : memref<!tpu.dma_semaphore, #tpu.memory_space<semaphore_mem>>) src(%dma_wait3A_480 : memref<100x64xf32, #tpu.memory_space<hbm>>) dst(%dma_wait3A_474 : memref<128x64xf32, #tpu.memory_space<vmem>>)
      %dma_start3A_481 = arith.constant 0 : i32
      %dma_start3A_482 = arith.constant 0 : i32
      %dma_start3A_483 = tpu.memref_slice %arg16[%dma_start3A_481, %dma_start3A_482] : memref<640x64xf32, #tpu.memory_space<vmem>> -> memref<128x64xf32, #tpu.memory_space<vmem>>
      %dma_start3A_484 = arith.constant 64 : i32
      %dma_start3A_485 = tpu.memref_slice %arg9[%select_n3A_468, %sub3A_471, %dma_start3A_484] : memref<50x4096x128xf32, #tpu.memory_space<hbm>> -> memref<1x128x64xf32, #tpu.memory_space<hbm>>
      %dma_start3A_486 = tpu.memref_squeeze %dma_start3A_485 : memref<1x128x64xf32, #tpu.memory_space<hbm>> -> memref<128x64xf32, #tpu.memory_space<hbm>>
      %dma_start3A_487 = arith.constant 64 : i32
      %dma_start3A_488 = tpu.memref_slice %arg9[%select_n3A_468, %sub3A_471, %dma_start3A_487] : memref<50x4096x128xf32, #tpu.memory_space<hbm>> -> memref<1x128x64xf32, #tpu.memory_space<hbm>>
      %dma_start3A_489 = tpu.memref_squeeze %dma_start3A_488 : memref<1x128x64xf32, #tpu.memory_space<hbm>> -> memref<128x64xf32, #tpu.memory_space<hbm>>
      %dma_start3A_490 = arith.constant 0 : i32
      %dma_start3A_491 = arith.constant 0 : i32
      %dma_start3A_492 = tpu.memref_slice %arg16[%dma_start3A_490, %dma_start3A_491] : memref<640x64xf32, #tpu.memory_space<vmem>> -> memref<128x64xf32, #tpu.memory_space<vmem>>
      tpu.enqueue_dma source(%dma_start3A_492 : memref<128x64xf32, #tpu.memory_space<vmem>>) target(%dma_start3A_489 : memref<128x64xf32, #tpu.memory_space<hbm>>) target_semaphore(%arg21 : memref<!tpu.dma_semaphore, #tpu.memory_space<semaphore_mem>>)
      %add3A_493 = arith.constant 1 : i32
      %add3A_494 = arith.addi %mul3A_72, %add3A_493 : i32
      %mul3A_495 = arith.constant 128 : i32
      %mul3A_496 = arith.muli %add3A_494, %mul3A_495 : i32
      %add3A_497 = arith.addi %mul3A_64, %mul3A_496 : i32
      %jit3A_498 = arith.constant 4096 : i32
      %div3A_499 = arith.divsi %add3A_497, %jit3A_498 : i32
      %sign3A_500 = arith.constant 0 : i32
      %sign3A_501 = arith.cmpi sgt, %add3A_497, %sign3A_500 : i32
      %sign3A_502 = arith.extui %sign3A_501 : i1 to i32
      %sign3A_503 = arith.constant 0 : i32
      %sign3A_504 = arith.cmpi slt, %add3A_497, %sign3A_503 : i32
      %sign3A_505 = arith.extui %sign3A_504 : i1 to i32
      %sign3A_506 = arith.subi %sign3A_502, %sign3A_505 : i32
      %sign3A_507 = arith.constant 0 : i32
      %sign3A_508 = arith.cmpi sgt, %jit3A_498, %sign3A_507 : i32
      %sign3A_509 = arith.extui %sign3A_508 : i1 to i32
      %sign3A_510 = arith.constant 0 : i32
      %sign3A_511 = arith.cmpi slt, %jit3A_498, %sign3A_510 : i32
      %sign3A_512 = arith.extui %sign3A_511 : i1 to i32
      %sign3A_513 = arith.subi %sign3A_509, %sign3A_512 : i32
      %ne3A_514 = arith.cmpi ne, %sign3A_506, %sign3A_513 : i32
      %rem3A_515 = arith.remsi %add3A_497, %jit3A_498 : i32
      %ne3A_516 = arith.constant 0 : i32
      %ne3A_517 = arith.cmpi ne, %rem3A_515, %ne3A_516 : i32
      %and3A_518 = arith.andi %ne3A_514, %ne3A_517 : i1
      %sub3A_519 = arith.constant 1 : i32
      %sub3A_520 = arith.subi %div3A_499, %sub3A_519 : i32
      %select_n3A_521 = arith.select %and3A_518, %sub3A_520, %div3A_499 : i32
      %mul3A_522 = arith.constant 4096 : i32
      %mul3A_523 = arith.muli %select_n3A_521, %mul3A_522 : i32
      %sub3A_524 = arith.subi %add3A_497, %mul3A_523 : i32
      %dma_wait3A_525 = arith.constant 128 : i32
      %dma_wait3A_526 = arith.constant 0 : i32
      %dma_wait3A_527 = tpu.memref_slice %arg16[%dma_wait3A_525, %dma_wait3A_526] : memref<640x64xf32, #tpu.memory_space<vmem>> -> memref<128x64xf32, #tpu.memory_space<vmem>>
      %dma_wait3A_528 = arith.constant 0 : i32
      %dma_wait3A_529 = tpu.memref_slice %arg13[%add3A_140, %dma_wait3A_528] : memref<50x128xi32, #tpu.memory_space<vmem>> -> memref<1x128xi32, #tpu.memory_space<vmem>>
      %dma_wait3A_530 = tpu.memref_squeeze %dma_wait3A_529 : memref<1x128xi32, #tpu.memory_space<vmem>> -> memref<128xi32, #tpu.memory_space<vmem>>
      %dma_wait3A_531 = arith.constant 0 : i32
      %dma_wait3A_532 = arith.constant 0 : i32
      %dma_wait3A_533 = tpu.memref_slice %arg7[%dma_wait3A_531, %dma_wait3A_532] : memref<100x64xf32, #tpu.memory_space<hbm>> -> memref<100x64xf32, #tpu.memory_space<hbm>>
      tpu.wait_indirect_dma semaphore(%arg19 : memref<!tpu.dma_semaphore, #tpu.memory_space<semaphore_mem>>) src(%dma_wait3A_533 : memref<100x64xf32, #tpu.memory_space<hbm>>) dst(%dma_wait3A_527 : memref<128x64xf32, #tpu.memory_space<vmem>>)
      %dma_start3A_534 = arith.constant 128 : i32
      %dma_start3A_535 = arith.constant 0 : i32
      %dma_start3A_536 = tpu.memref_slice %arg16[%dma_start3A_534, %dma_start3A_535] : memref<640x64xf32, #tpu.memory_space<vmem>> -> memref<128x64xf32, #tpu.memory_space<vmem>>
      %dma_start3A_537 = arith.constant 64 : i32
      %dma_start3A_538 = tpu.memref_slice %arg9[%select_n3A_521, %sub3A_524, %dma_start3A_537] : memref<50x4096x128xf32, #tpu.memory_space<hbm>> -> memref<1x128x64xf32, #tpu.memory_space<hbm>>
      %dma_start3A_539 = tpu.memref_squeeze %dma_start3A_538 : memref<1x128x64xf32, #tpu.memory_space<hbm>> -> memref<128x64xf32, #tpu.memory_space<hbm>>
      %dma_start3A_540 = arith.constant 64 : i32
      %dma_start3A_541 = tpu.memref_slice %arg9[%select_n3A_521, %sub3A_524, %dma_start3A_540] : memref<50x4096x128xf32, #tpu.memory_space<hbm>> -> memref<1x128x64xf32, #tpu.memory_space<hbm>>
      %dma_start3A_542 = tpu.memref_squeeze %dma_start3A_541 : memref<1x128x64xf32, #tpu.memory_space<hbm>> -> memref<128x64xf32, #tpu.memory_space<hbm>>
      %dma_start3A_543 = arith.constant 128 : i32
      %dma_start3A_544 = arith.constant 0 : i32
      %dma_start3A_545 = tpu.memref_slice %arg16[%dma_start3A_543, %dma_start3A_544] : memref<640x64xf32, #tpu.memory_space<vmem>> -> memref<128x64xf32, #tpu.memory_space<vmem>>
      tpu.enqueue_dma source(%dma_start3A_545 : memref<128x64xf32, #tpu.memory_space<vmem>>) target(%dma_start3A_542 : memref<128x64xf32, #tpu.memory_space<hbm>>) target_semaphore(%arg21 : memref<!tpu.dma_semaphore, #tpu.memory_space<semaphore_mem>>)
      %add3A_546 = arith.constant 2 : i32
      %add3A_547 = arith.addi %mul3A_72, %add3A_546 : i32
      %mul3A_548 = arith.constant 128 : i32
      %mul3A_549 = arith.muli %add3A_547, %mul3A_548 : i32
      %add3A_550 = arith.addi %mul3A_64, %mul3A_549 : i32
      %jit3A_551 = arith.constant 4096 : i32
      %div3A_552 = arith.divsi %add3A_550, %jit3A_551 : i32
      %sign3A_553 = arith.constant 0 : i32
      %sign3A_554 = arith.cmpi sgt, %add3A_550, %sign3A_553 : i32
      %sign3A_555 = arith.extui %sign3A_554 : i1 to i32
      %sign3A_556 = arith.constant 0 : i32
      %sign3A_557 = arith.cmpi slt, %add3A_550, %sign3A_556 : i32
      %sign3A_558 = arith.extui %sign3A_557 : i1 to i32
      %sign3A_559 = arith.subi %sign3A_555, %sign3A_558 : i32
      %sign3A_560 = arith.constant 0 : i32
      %sign3A_561 = arith.cmpi sgt, %jit3A_551, %sign3A_560 : i32
      %sign3A_562 = arith.extui %sign3A_561 : i1 to i32
      %sign3A_563 = arith.constant 0 : i32
      %sign3A_564 = arith.cmpi slt, %jit3A_551, %sign3A_563 : i32
      %sign3A_565 = arith.extui %sign3A_564 : i1 to i32
      %sign3A_566 = arith.subi %sign3A_562, %sign3A_565 : i32
      %ne3A_567 = arith.cmpi ne, %sign3A_559, %sign3A_566 : i32
      %rem3A_568 = arith.remsi %add3A_550, %jit3A_551 : i32
      %ne3A_569 = arith.constant 0 : i32
      %ne3A_570 = arith.cmpi ne, %rem3A_568, %ne3A_569 : i32
      %and3A_571 = arith.andi %ne3A_567, %ne3A_570 : i1
      %sub3A_572 = arith.constant 1 : i32
      %sub3A_573 = arith.subi %div3A_552, %sub3A_572 : i32
      %select_n3A_574 = arith.select %and3A_571, %sub3A_573, %div3A_552 : i32
      %mul3A_575 = arith.constant 4096 : i32
      %mul3A_576 = arith.muli %select_n3A_574, %mul3A_575 : i32
      %sub3A_577 = arith.subi %add3A_550, %mul3A_576 : i32
      %dma_wait3A_578 = arith.constant 256 : i32
      %dma_wait3A_579 = arith.constant 0 : i32
      %dma_wait3A_580 = tpu.memref_slice %arg16[%dma_wait3A_578, %dma_wait3A_579] : memref<640x64xf32, #tpu.memory_space<vmem>> -> memref<128x64xf32, #tpu.memory_space<vmem>>
      %dma_wait3A_581 = arith.constant 0 : i32
      %dma_wait3A_582 = tpu.memref_slice %arg13[%add3A_151, %dma_wait3A_581] : memref<50x128xi32, #tpu.memory_space<vmem>> -> memref<1x128xi32, #tpu.memory_space<vmem>>
      %dma_wait3A_583 = tpu.memref_squeeze %dma_wait3A_582 : memref<1x128xi32, #tpu.memory_space<vmem>> -> memref<128xi32, #tpu.memory_space<vmem>>
      %dma_wait3A_584 = arith.constant 0 : i32
      %dma_wait3A_585 = arith.constant 0 : i32
      %dma_wait3A_586 = tpu.memref_slice %arg7[%dma_wait3A_584, %dma_wait3A_585] : memref<100x64xf32, #tpu.memory_space<hbm>> -> memref<100x64xf32, #tpu.memory_space<hbm>>
      tpu.wait_indirect_dma semaphore(%arg19 : memref<!tpu.dma_semaphore, #tpu.memory_space<semaphore_mem>>) src(%dma_wait3A_586 : memref<100x64xf32, #tpu.memory_space<hbm>>) dst(%dma_wait3A_580 : memref<128x64xf32, #tpu.memory_space<vmem>>)
      %dma_start3A_587 = arith.constant 256 : i32
      %dma_start3A_588 = arith.constant 0 : i32
      %dma_start3A_589 = tpu.memref_slice %arg16[%dma_start3A_587, %dma_start3A_588] : memref<640x64xf32, #tpu.memory_space<vmem>> -> memref<128x64xf32, #tpu.memory_space<vmem>>
      %dma_start3A_590 = arith.constant 64 : i32
      %dma_start3A_591 = tpu.memref_slice %arg9[%select_n3A_574, %sub3A_577, %dma_start3A_590] : memref<50x4096x128xf32, #tpu.memory_space<hbm>> -> memref<1x128x64xf32, #tpu.memory_space<hbm>>
      %dma_start3A_592 = tpu.memref_squeeze %dma_start3A_591 : memref<1x128x64xf32, #tpu.memory_space<hbm>> -> memref<128x64xf32, #tpu.memory_space<hbm>>
      %dma_start3A_593 = arith.constant 64 : i32
      %dma_start3A_594 = tpu.memref_slice %arg9[%select_n3A_574, %sub3A_577, %dma_start3A_593] : memref<50x4096x128xf32, #tpu.memory_space<hbm>> -> memref<1x128x64xf32, #tpu.memory_space<hbm>>
      %dma_start3A_595 = tpu.memref_squeeze %dma_start3A_594 : memref<1x128x64xf32, #tpu.memory_space<hbm>> -> memref<128x64xf32, #tpu.memory_space<hbm>>
      %dma_start3A_596 = arith.constant 256 : i32
      %dma_start3A_597 = arith.constant 0 : i32
      %dma_start3A_598 = tpu.memref_slice %arg16[%dma_start3A_596, %dma_start3A_597] : memref<640x64xf32, #tpu.memory_space<vmem>> -> memref<128x64xf32, #tpu.memory_space<vmem>>
      tpu.enqueue_dma source(%dma_start3A_598 : memref<128x64xf32, #tpu.memory_space<vmem>>) target(%dma_start3A_595 : memref<128x64xf32, #tpu.memory_space<hbm>>) target_semaphore(%arg21 : memref<!tpu.dma_semaphore, #tpu.memory_space<semaphore_mem>>)
      %add3A_599 = arith.constant 3 : i32
      %add3A_600 = arith.addi %mul3A_72, %add3A_599 : i32
      %mul3A_601 = arith.constant 128 : i32
      %mul3A_602 = arith.muli %add3A_600, %mul3A_601 : i32
      %add3A_603 = arith.addi %mul3A_64, %mul3A_602 : i32
      %jit3A_604 = arith.constant 4096 : i32
      %div3A_605 = arith.divsi %add3A_603, %jit3A_604 : i32
      %sign3A_606 = arith.constant 0 : i32
      %sign3A_607 = arith.cmpi sgt, %add3A_603, %sign3A_606 : i32
      %sign3A_608 = arith.extui %sign3A_607 : i1 to i32
      %sign3A_609 = arith.constant 0 : i32
      %sign3A_610 = arith.cmpi slt, %add3A_603, %sign3A_609 : i32
      %sign3A_611 = arith.extui %sign3A_610 : i1 to i32
      %sign3A_612 = arith.subi %sign3A_608, %sign3A_611 : i32
      %sign3A_613 = arith.constant 0 : i32
      %sign3A_614 = arith.cmpi sgt, %jit3A_604, %sign3A_613 : i32
      %sign3A_615 = arith.extui %sign3A_614 : i1 to i32
      %sign3A_616 = arith.constant 0 : i32
      %sign3A_617 = arith.cmpi slt, %jit3A_604, %sign3A_616 : i32
      %sign3A_618 = arith.extui %sign3A_617 : i1 to i32
      %sign3A_619 = arith.subi %sign3A_615, %sign3A_618 : i32
      %ne3A_620 = arith.cmpi ne, %sign3A_612, %sign3A_619 : i32
      %rem3A_621 = arith.remsi %add3A_603, %jit3A_604 : i32
      %ne3A_622 = arith.constant 0 : i32
      %ne3A_623 = arith.cmpi ne, %rem3A_621, %ne3A_622 : i32
      %and3A_624 = arith.andi %ne3A_620, %ne3A_623 : i1
      %sub3A_625 = arith.constant 1 : i32
      %sub3A_626 = arith.subi %div3A_605, %sub3A_625 : i32
      %select_n3A_627 = arith.select %and3A_624, %sub3A_626, %div3A_605 : i32
      %mul3A_628 = arith.constant 4096 : i32
      %mul3A_629 = arith.muli %select_n3A_627, %mul3A_628 : i32
      %sub3A_630 = arith.subi %add3A_603, %mul3A_629 : i32
      %dma_wait3A_631 = arith.constant 384 : i32
      %dma_wait3A_632 = arith.constant 0 : i32
      %dma_wait3A_633 = tpu.memref_slice %arg16[%dma_wait3A_631, %dma_wait3A_632] : memref<640x64xf32, #tpu.memory_space<vmem>> -> memref<128x64xf32, #tpu.memory_space<vmem>>
      %dma_wait3A_634 = arith.constant 0 : i32
      %dma_wait3A_635 = tpu.memref_slice %arg13[%add3A_162, %dma_wait3A_634] : memref<50x128xi32, #tpu.memory_space<vmem>> -> memref<1x128xi32, #tpu.memory_space<vmem>>
      %dma_wait3A_636 = tpu.memref_squeeze %dma_wait3A_635 : memref<1x128xi32, #tpu.memory_space<vmem>> -> memref<128xi32, #tpu.memory_space<vmem>>
      %dma_wait3A_637 = arith.constant 0 : i32
      %dma_wait3A_638 = arith.constant 0 : i32
      %dma_wait3A_639 = tpu.memref_slice %arg7[%dma_wait3A_637, %dma_wait3A_638] : memref<100x64xf32, #tpu.memory_space<hbm>> -> memref<100x64xf32, #tpu.memory_space<hbm>>
      tpu.wait_indirect_dma semaphore(%arg19 : memref<!tpu.dma_semaphore, #tpu.memory_space<semaphore_mem>>) src(%dma_wait3A_639 : memref<100x64xf32, #tpu.memory_space<hbm>>) dst(%dma_wait3A_633 : memref<128x64xf32, #tpu.memory_space<vmem>>)
      %dma_start3A_640 = arith.constant 384 : i32
      %dma_start3A_641 = arith.constant 0 : i32
      %dma_start3A_642 = tpu.memref_slice %arg16[%dma_start3A_640, %dma_start3A_641] : memref<640x64xf32, #tpu.memory_space<vmem>> -> memref<128x64xf32, #tpu.memory_space<vmem>>
      %dma_start3A_643 = arith.constant 64 : i32
      %dma_start3A_644 = tpu.memref_slice %arg9[%select_n3A_627, %sub3A_630, %dma_start3A_643] : memref<50x4096x128xf32, #tpu.memory_space<hbm>> -> memref<1x128x64xf32, #tpu.memory_space<hbm>>
      %dma_start3A_645 = tpu.memref_squeeze %dma_start3A_644 : memref<1x128x64xf32, #tpu.memory_space<hbm>> -> memref<128x64xf32, #tpu.memory_space<hbm>>
      %dma_start3A_646 = arith.constant 64 : i32
      %dma_start3A_647 = tpu.memref_slice %arg9[%select_n3A_627, %sub3A_630, %dma_start3A_646] : memref<50x4096x128xf32, #tpu.memory_space<hbm>> -> memref<1x128x64xf32, #tpu.memory_space<hbm>>
      %dma_start3A_648 = tpu.memref_squeeze %dma_start3A_647 : memref<1x128x64xf32, #tpu.memory_space<hbm>> -> memref<128x64xf32, #tpu.memory_space<hbm>>
      %dma_start3A_649 = arith.constant 384 : i32
      %dma_start3A_650 = arith.constant 0 : i32
      %dma_start3A_651 = tpu.memref_slice %arg16[%dma_start3A_649, %dma_start3A_650] : memref<640x64xf32, #tpu.memory_space<vmem>> -> memref<128x64xf32, #tpu.memory_space<vmem>>
      tpu.enqueue_dma source(%dma_start3A_651 : memref<128x64xf32, #tpu.memory_space<vmem>>) target(%dma_start3A_648 : memref<128x64xf32, #tpu.memory_space<hbm>>) target_semaphore(%arg21 : memref<!tpu.dma_semaphore, #tpu.memory_space<semaphore_mem>>)
      %add3A_652 = arith.constant 4 : i32
      %add3A_653 = arith.addi %mul3A_72, %add3A_652 : i32
      %mul3A_654 = arith.constant 128 : i32
      %mul3A_655 = arith.muli %add3A_653, %mul3A_654 : i32
      %add3A_656 = arith.addi %mul3A_64, %mul3A_655 : i32
      %jit3A_657 = arith.constant 4096 : i32
      %div3A_658 = arith.divsi %add3A_656, %jit3A_657 : i32
      %sign3A_659 = arith.constant 0 : i32
      %sign3A_660 = arith.cmpi sgt, %add3A_656, %sign3A_659 : i32
      %sign3A_661 = arith.extui %sign3A_660 : i1 to i32
      %sign3A_662 = arith.constant 0 : i32
      %sign3A_663 = arith.cmpi slt, %add3A_656, %sign3A_662 : i32
      %sign3A_664 = arith.extui %sign3A_663 : i1 to i32
      %sign3A_665 = arith.subi %sign3A_661, %sign3A_664 : i32
      %sign3A_666 = arith.constant 0 : i32
      %sign3A_667 = arith.cmpi sgt, %jit3A_657, %sign3A_666 : i32
      %sign3A_668 = arith.extui %sign3A_667 : i1 to i32
      %sign3A_669 = arith.constant 0 : i32
      %sign3A_670 = arith.cmpi slt, %jit3A_657, %sign3A_669 : i32
      %sign3A_671 = arith.extui %sign3A_670 : i1 to i32
      %sign3A_672 = arith.subi %sign3A_668, %sign3A_671 : i32
      %ne3A_673 = arith.cmpi ne, %sign3A_665, %sign3A_672 : i32
      %rem3A_674 = arith.remsi %add3A_656, %jit3A_657 : i32
      %ne3A_675 = arith.constant 0 : i32
      %ne3A_676 = arith.cmpi ne, %rem3A_674, %ne3A_675 : i32
      %and3A_677 = arith.andi %ne3A_673, %ne3A_676 : i1
      %sub3A_678 = arith.constant 1 : i32
      %sub3A_679 = arith.subi %div3A_658, %sub3A_678 : i32
      %select_n3A_680 = arith.select %and3A_677, %sub3A_679, %div3A_658 : i32
      %mul3A_681 = arith.constant 4096 : i32
      %mul3A_682 = arith.muli %select_n3A_680, %mul3A_681 : i32
      %sub3A_683 = arith.subi %add3A_656, %mul3A_682 : i32
      %dma_wait3A_684 = arith.constant 512 : i32
      %dma_wait3A_685 = arith.constant 0 : i32
      %dma_wait3A_686 = tpu.memref_slice %arg16[%dma_wait3A_684, %dma_wait3A_685] : memref<640x64xf32, #tpu.memory_space<vmem>> -> memref<128x64xf32, #tpu.memory_space<vmem>>
      %dma_wait3A_687 = arith.constant 0 : i32
      %dma_wait3A_688 = tpu.memref_slice %arg13[%add3A_173, %dma_wait3A_687] : memref<50x128xi32, #tpu.memory_space<vmem>> -> memref<1x128xi32, #tpu.memory_space<vmem>>
      %dma_wait3A_689 = tpu.memref_squeeze %dma_wait3A_688 : memref<1x128xi32, #tpu.memory_space<vmem>> -> memref<128xi32, #tpu.memory_space<vmem>>
      %dma_wait3A_690 = arith.constant 0 : i32
      %dma_wait3A_691 = arith.constant 0 : i32
      %dma_wait3A_692 = tpu.memref_slice %arg7[%dma_wait3A_690, %dma_wait3A_691] : memref<100x64xf32, #tpu.memory_space<hbm>> -> memref<100x64xf32, #tpu.memory_space<hbm>>
      tpu.wait_indirect_dma semaphore(%arg19 : memref<!tpu.dma_semaphore, #tpu.memory_space<semaphore_mem>>) src(%dma_wait3A_692 : memref<100x64xf32, #tpu.memory_space<hbm>>) dst(%dma_wait3A_686 : memref<128x64xf32, #tpu.memory_space<vmem>>)
      %dma_start3A_693 = arith.constant 512 : i32
      %dma_start3A_694 = arith.constant 0 : i32
      %dma_start3A_695 = tpu.memref_slice %arg16[%dma_start3A_693, %dma_start3A_694] : memref<640x64xf32, #tpu.memory_space<vmem>> -> memref<128x64xf32, #tpu.memory_space<vmem>>
      %dma_start3A_696 = arith.constant 64 : i32
      %dma_start3A_697 = tpu.memref_slice %arg9[%select_n3A_680, %sub3A_683, %dma_start3A_696] : memref<50x4096x128xf32, #tpu.memory_space<hbm>> -> memref<1x128x64xf32, #tpu.memory_space<hbm>>
      %dma_start3A_698 = tpu.memref_squeeze %dma_start3A_697 : memref<1x128x64xf32, #tpu.memory_space<hbm>> -> memref<128x64xf32, #tpu.memory_space<hbm>>
      %dma_start3A_699 = arith.constant 64 : i32
      %dma_start3A_700 = tpu.memref_slice %arg9[%select_n3A_680, %sub3A_683, %dma_start3A_699] : memref<50x4096x128xf32, #tpu.memory_space<hbm>> -> memref<1x128x64xf32, #tpu.memory_space<hbm>>
      %dma_start3A_701 = tpu.memref_squeeze %dma_start3A_700 : memref<1x128x64xf32, #tpu.memory_space<hbm>> -> memref<128x64xf32, #tpu.memory_space<hbm>>
      %dma_start3A_702 = arith.constant 512 : i32
      %dma_start3A_703 = arith.constant 0 : i32
      %dma_start3A_704 = tpu.memref_slice %arg16[%dma_start3A_702, %dma_start3A_703] : memref<640x64xf32, #tpu.memory_space<vmem>> -> memref<128x64xf32, #tpu.memory_space<vmem>>
      tpu.enqueue_dma source(%dma_start3A_704 : memref<128x64xf32, #tpu.memory_space<vmem>>) target(%dma_start3A_701 : memref<128x64xf32, #tpu.memory_space<hbm>>) target_semaphore(%arg21 : memref<!tpu.dma_semaphore, #tpu.memory_space<semaphore_mem>>)
      %dma_wait3A_705 = arith.constant 0 : i32
      %dma_wait3A_706 = arith.constant 0 : i32
      %dma_wait3A_707 = tpu.memref_slice %arg15[%dma_wait3A_705, %dma_wait3A_706] : memref<640x64xf32, #tpu.memory_space<vmem>> -> memref<128x64xf32, #tpu.memory_space<vmem>>
      %dma_wait3A_708 = arith.constant 0 : i32
      %dma_wait3A_709 = tpu.memref_slice %arg9[%select_n3A, %sub3A_206, %dma_wait3A_708] : memref<50x4096x128xf32, #tpu.memory_space<hbm>> -> memref<1x128x64xf32, #tpu.memory_space<hbm>>
      %dma_wait3A_710 = tpu.memref_squeeze %dma_wait3A_709 : memref<1x128x64xf32, #tpu.memory_space<hbm>> -> memref<128x64xf32, #tpu.memory_space<hbm>>
      %dma_wait3A_711 = arith.constant 0 : i32
      %dma_wait3A_712 = tpu.memref_slice %arg9[%select_n3A, %sub3A_206, %dma_wait3A_711] : memref<50x4096x128xf32, #tpu.memory_space<hbm>> -> memref<1x128x64xf32, #tpu.memory_space<hbm>>
      %dma_wait3A_713 = tpu.memref_squeeze %dma_wait3A_712 : memref<1x128x64xf32, #tpu.memory_space<hbm>> -> memref<128x64xf32, #tpu.memory_space<hbm>>
      %dma_wait3A_714 = arith.constant 0 : i32
      %dma_wait3A_715 = arith.constant 0 : i32
      %dma_wait3A_716 = tpu.memref_slice %arg15[%dma_wait3A_714, %dma_wait3A_715] : memref<640x64xf32, #tpu.memory_space<vmem>> -> memref<128x64xf32, #tpu.memory_space<vmem>>
      tpu.wait_dma2 semaphore(%arg20 : memref<!tpu.dma_semaphore, #tpu.memory_space<semaphore_mem>>) src(%dma_wait3A_716 : memref<128x64xf32, #tpu.memory_space<vmem>>) dst(%dma_wait3A_713 : memref<128x64xf32, #tpu.memory_space<hbm>>)
      %dma_wait3A_717 = arith.constant 128 : i32
      %dma_wait3A_718 = arith.constant 0 : i32
      %dma_wait3A_719 = tpu.memref_slice %arg15[%dma_wait3A_717, %dma_wait3A_718] : memref<640x64xf32, #tpu.memory_space<vmem>> -> memref<128x64xf32, #tpu.memory_space<vmem>>
      %dma_wait3A_720 = arith.constant 0 : i32
      %dma_wait3A_721 = tpu.memref_slice %arg9[%select_n3A_256, %sub3A_259, %dma_wait3A_720] : memref<50x4096x128xf32, #tpu.memory_space<hbm>> -> memref<1x128x64xf32, #tpu.memory_space<hbm>>
      %dma_wait3A_722 = tpu.memref_squeeze %dma_wait3A_721 : memref<1x128x64xf32, #tpu.memory_space<hbm>> -> memref<128x64xf32, #tpu.memory_space<hbm>>
      %dma_wait3A_723 = arith.constant 0 : i32
      %dma_wait3A_724 = tpu.memref_slice %arg9[%select_n3A_256, %sub3A_259, %dma_wait3A_723] : memref<50x4096x128xf32, #tpu.memory_space<hbm>> -> memref<1x128x64xf32, #tpu.memory_space<hbm>>
      %dma_wait3A_725 = tpu.memref_squeeze %dma_wait3A_724 : memref<1x128x64xf32, #tpu.memory_space<hbm>> -> memref<128x64xf32, #tpu.memory_space<hbm>>
      %dma_wait3A_726 = arith.constant 128 : i32
      %dma_wait3A_727 = arith.constant 0 : i32
      %dma_wait3A_728 = tpu.memref_slice %arg15[%dma_wait3A_726, %dma_wait3A_727] : memref<640x64xf32, #tpu.memory_space<vmem>> -> memref<128x64xf32, #tpu.memory_space<vmem>>
      tpu.wait_dma2 semaphore(%arg20 : memref<!tpu.dma_semaphore, #tpu.memory_space<semaphore_mem>>) src(%dma_wait3A_728 : memref<128x64xf32, #tpu.memory_space<vmem>>) dst(%dma_wait3A_725 : memref<128x64xf32, #tpu.memory_space<hbm>>)
      %dma_wait3A_729 = arith.constant 256 : i32
      %dma_wait3A_730 = arith.constant 0 : i32
      %dma_wait3A_731 = tpu.memref_slice %arg15[%dma_wait3A_729, %dma_wait3A_730] : memref<640x64xf32, #tpu.memory_space<vmem>> -> memref<128x64xf32, #tpu.memory_space<vmem>>
      %dma_wait3A_732 = arith.constant 0 : i32
      %dma_wait3A_733 = tpu.memref_slice %arg9[%select_n3A_309, %sub3A_312, %dma_wait3A_732] : memref<50x4096x128xf32, #tpu.memory_space<hbm>> -> memref<1x128x64xf32, #tpu.memory_space<hbm>>
      %dma_wait3A_734 = tpu.memref_squeeze %dma_wait3A_733 : memref<1x128x64xf32, #tpu.memory_space<hbm>> -> memref<128x64xf32, #tpu.memory_space<hbm>>
      %dma_wait3A_735 = arith.constant 0 : i32
      %dma_wait3A_736 = tpu.memref_slice %arg9[%select_n3A_309, %sub3A_312, %dma_wait3A_735] : memref<50x4096x128xf32, #tpu.memory_space<hbm>> -> memref<1x128x64xf32, #tpu.memory_space<hbm>>
      %dma_wait3A_737 = tpu.memref_squeeze %dma_wait3A_736 : memref<1x128x64xf32, #tpu.memory_space<hbm>> -> memref<128x64xf32, #tpu.memory_space<hbm>>
      %dma_wait3A_738 = arith.constant 256 : i32
      %dma_wait3A_739 = arith.constant 0 : i32
      %dma_wait3A_740 = tpu.memref_slice %arg15[%dma_wait3A_738, %dma_wait3A_739] : memref<640x64xf32, #tpu.memory_space<vmem>> -> memref<128x64xf32, #tpu.memory_space<vmem>>
      tpu.wait_dma2 semaphore(%arg20 : memref<!tpu.dma_semaphore, #tpu.memory_space<semaphore_mem>>) src(%dma_wait3A_740 : memref<128x64xf32, #tpu.memory_space<vmem>>) dst(%dma_wait3A_737 : memref<128x64xf32, #tpu.memory_space<hbm>>)
      %dma_wait3A_741 = arith.constant 384 : i32
      %dma_wait3A_742 = arith.constant 0 : i32
      %dma_wait3A_743 = tpu.memref_slice %arg15[%dma_wait3A_741, %dma_wait3A_742] : memref<640x64xf32, #tpu.memory_space<vmem>> -> memref<128x64xf32, #tpu.memory_space<vmem>>
      %dma_wait3A_744 = arith.constant 0 : i32
      %dma_wait3A_745 = tpu.memref_slice %arg9[%select_n3A_362, %sub3A_365, %dma_wait3A_744] : memref<50x4096x128xf32, #tpu.memory_space<hbm>> -> memref<1x128x64xf32, #tpu.memory_space<hbm>>
      %dma_wait3A_746 = tpu.memref_squeeze %dma_wait3A_745 : memref<1x128x64xf32, #tpu.memory_space<hbm>> -> memref<128x64xf32, #tpu.memory_space<hbm>>
      %dma_wait3A_747 = arith.constant 0 : i32
      %dma_wait3A_748 = tpu.memref_slice %arg9[%select_n3A_362, %sub3A_365, %dma_wait3A_747] : memref<50x4096x128xf32, #tpu.memory_space<hbm>> -> memref<1x128x64xf32, #tpu.memory_space<hbm>>
      %dma_wait3A_749 = tpu.memref_squeeze %dma_wait3A_748 : memref<1x128x64xf32, #tpu.memory_space<hbm>> -> memref<128x64xf32, #tpu.memory_space<hbm>>
      %dma_wait3A_750 = arith.constant 384 : i32
      %dma_wait3A_751 = arith.constant 0 : i32
      %dma_wait3A_752 = tpu.memref_slice %arg15[%dma_wait3A_750, %dma_wait3A_751] : memref<640x64xf32, #tpu.memory_space<vmem>> -> memref<128x64xf32, #tpu.memory_space<vmem>>
      tpu.wait_dma2 semaphore(%arg20 : memref<!tpu.dma_semaphore, #tpu.memory_space<semaphore_mem>>) src(%dma_wait3A_752 : memref<128x64xf32, #tpu.memory_space<vmem>>) dst(%dma_wait3A_749 : memref<128x64xf32, #tpu.memory_space<hbm>>)
      %dma_wait3A_753 = arith.constant 512 : i32
      %dma_wait3A_754 = arith.constant 0 : i32
      %dma_wait3A_755 = tpu.memref_slice %arg15[%dma_wait3A_753, %dma_wait3A_754] : memref<640x64xf32, #tpu.memory_space<vmem>> -> memref<128x64xf32, #tpu.memory_space<vmem>>
      %dma_wait3A_756 = arith.constant 0 : i32
      %dma_wait3A_757 = tpu.memref_slice %arg9[%select_n3A_415, %sub3A_418, %dma_wait3A_756] : memref<50x4096x128xf32, #tpu.memory_space<hbm>> -> memref<1x128x64xf32, #tpu.memory_space<hbm>>
      %dma_wait3A_758 = tpu.memref_squeeze %dma_wait3A_757 : memref<1x128x64xf32, #tpu.memory_space<hbm>> -> memref<128x64xf32, #tpu.memory_space<hbm>>
      %dma_wait3A_759 = arith.constant 0 : i32
      %dma_wait3A_760 = tpu.memref_slice %arg9[%select_n3A_415, %sub3A_418, %dma_wait3A_759] : memref<50x4096x128xf32, #tpu.memory_space<hbm>> -> memref<1x128x64xf32, #tpu.memory_space<hbm>>
      %dma_wait3A_761 = tpu.memref_squeeze %dma_wait3A_760 : memref<1x128x64xf32, #tpu.memory_space<hbm>> -> memref<128x64xf32, #tpu.memory_space<hbm>>
      %dma_wait3A_762 = arith.constant 512 : i32
      %dma_wait3A_763 = arith.constant 0 : i32
      %dma_wait3A_764 = tpu.memref_slice %arg15[%dma_wait3A_762, %dma_wait3A_763] : memref<640x64xf32, #tpu.memory_space<vmem>> -> memref<128x64xf32, #tpu.memory_space<vmem>>
      tpu.wait_dma2 semaphore(%arg20 : memref<!tpu.dma_semaphore, #tpu.memory_space<semaphore_mem>>) src(%dma_wait3A_764 : memref<128x64xf32, #tpu.memory_space<vmem>>) dst(%dma_wait3A_761 : memref<128x64xf32, #tpu.memory_space<hbm>>)
      %dma_wait3A_765 = arith.constant 0 : i32
      %dma_wait3A_766 = arith.constant 0 : i32
      %dma_wait3A_767 = tpu.memref_slice %arg16[%dma_wait3A_765, %dma_wait3A_766] : memref<640x64xf32, #tpu.memory_space<vmem>> -> memref<128x64xf32, #tpu.memory_space<vmem>>
      %dma_wait3A_768 = arith.constant 64 : i32
      %dma_wait3A_769 = tpu.memref_slice %arg9[%select_n3A_468, %sub3A_471, %dma_wait3A_768] : memref<50x4096x128xf32, #tpu.memory_space<hbm>> -> memref<1x128x64xf32, #tpu.memory_space<hbm>>
      %dma_wait3A_770 = tpu.memref_squeeze %dma_wait3A_769 : memref<1x128x64xf32, #tpu.memory_space<hbm>> -> memref<128x64xf32, #tpu.memory_space<hbm>>
      %dma_wait3A_771 = arith.constant 64 : i32
      %dma_wait3A_772 = tpu.memref_slice %arg9[%select_n3A_468, %sub3A_471, %dma_wait3A_771] : memref<50x4096x128xf32, #tpu.memory_space<hbm>> -> memref<1x128x64xf32, #tpu.memory_space<hbm>>
      %dma_wait3A_773 = tpu.memref_squeeze %dma_wait3A_772 : memref<1x128x64xf32, #tpu.memory_space<hbm>> -> memref<128x64xf32, #tpu.memory_space<hbm>>
      %dma_wait3A_774 = arith.constant 0 : i32
      %dma_wait3A_775 = arith.constant 0 : i32
      %dma_wait3A_776 = tpu.memref_slice %arg16[%dma_wait3A_774, %dma_wait3A_775] : memref<640x64xf32, #tpu.memory_space<vmem>> -> memref<128x64xf32, #tpu.memory_space<vmem>>
      tpu.wait_dma2 semaphore(%arg21 : memref<!tpu.dma_semaphore, #tpu.memory_space<semaphore_mem>>) src(%dma_wait3A_776 : memref<128x64xf32, #tpu.memory_space<vmem>>) dst(%dma_wait3A_773 : memref<128x64xf32, #tpu.memory_space<hbm>>)
      %dma_wait3A_777 = arith.constant 128 : i32
      %dma_wait3A_778 = arith.constant 0 : i32
      %dma_wait3A_779 = tpu.memref_slice %arg16[%dma_wait3A_777, %dma_wait3A_778] : memref<640x64xf32, #tpu.memory_space<vmem>> -> memref<128x64xf32, #tpu.memory_space<vmem>>
      %dma_wait3A_780 = arith.constant 64 : i32
      %dma_wait3A_781 = tpu.memref_slice %arg9[%select_n3A_521, %sub3A_524, %dma_wait3A_780] : memref<50x4096x128xf32, #tpu.memory_space<hbm>> -> memref<1x128x64xf32, #tpu.memory_space<hbm>>
      %dma_wait3A_782 = tpu.memref_squeeze %dma_wait3A_781 : memref<1x128x64xf32, #tpu.memory_space<hbm>> -> memref<128x64xf32, #tpu.memory_space<hbm>>
      %dma_wait3A_783 = arith.constant 64 : i32
      %dma_wait3A_784 = tpu.memref_slice %arg9[%select_n3A_521, %sub3A_524, %dma_wait3A_783] : memref<50x4096x128xf32, #tpu.memory_space<hbm>> -> memref<1x128x64xf32, #tpu.memory_space<hbm>>
      %dma_wait3A_785 = tpu.memref_squeeze %dma_wait3A_784 : memref<1x128x64xf32, #tpu.memory_space<hbm>> -> memref<128x64xf32, #tpu.memory_space<hbm>>
      %dma_wait3A_786 = arith.constant 128 : i32
      %dma_wait3A_787 = arith.constant 0 : i32
      %dma_wait3A_788 = tpu.memref_slice %arg16[%dma_wait3A_786, %dma_wait3A_787] : memref<640x64xf32, #tpu.memory_space<vmem>> -> memref<128x64xf32, #tpu.memory_space<vmem>>
      tpu.wait_dma2 semaphore(%arg21 : memref<!tpu.dma_semaphore, #tpu.memory_space<semaphore_mem>>) src(%dma_wait3A_788 : memref<128x64xf32, #tpu.memory_space<vmem>>) dst(%dma_wait3A_785 : memref<128x64xf32, #tpu.memory_space<hbm>>)
      %dma_wait3A_789 = arith.constant 256 : i32
      %dma_wait3A_790 = arith.constant 0 : i32
      %dma_wait3A_791 = tpu.memref_slice %arg16[%dma_wait3A_789, %dma_wait3A_790] : memref<640x64xf32, #tpu.memory_space<vmem>> -> memref<128x64xf32, #tpu.memory_space<vmem>>
      %dma_wait3A_792 = arith.constant 64 : i32
      %dma_wait3A_793 = tpu.memref_slice %arg9[%select_n3A_574, %sub3A_577, %dma_wait3A_792] : memref<50x4096x128xf32, #tpu.memory_space<hbm>> -> memref<1x128x64xf32, #tpu.memory_space<hbm>>
      %dma_wait3A_794 = tpu.memref_squeeze %dma_wait3A_793 : memref<1x128x64xf32, #tpu.memory_space<hbm>> -> memref<128x64xf32, #tpu.memory_space<hbm>>
      %dma_wait3A_795 = arith.constant 64 : i32
      %dma_wait3A_796 = tpu.memref_slice %arg9[%select_n3A_574, %sub3A_577, %dma_wait3A_795] : memref<50x4096x128xf32, #tpu.memory_space<hbm>> -> memref<1x128x64xf32, #tpu.memory_space<hbm>>
      %dma_wait3A_797 = tpu.memref_squeeze %dma_wait3A_796 : memref<1x128x64xf32, #tpu.memory_space<hbm>> -> memref<128x64xf32, #tpu.memory_space<hbm>>
      %dma_wait3A_798 = arith.constant 256 : i32
      %dma_wait3A_799 = arith.constant 0 : i32
      %dma_wait3A_800 = tpu.memref_slice %arg16[%dma_wait3A_798, %dma_wait3A_799] : memref<640x64xf32, #tpu.memory_space<vmem>> -> memref<128x64xf32, #tpu.memory_space<vmem>>
      tpu.wait_dma2 semaphore(%arg21 : memref<!tpu.dma_semaphore, #tpu.memory_space<semaphore_mem>>) src(%dma_wait3A_800 : memref<128x64xf32, #tpu.memory_space<vmem>>) dst(%dma_wait3A_797 : memref<128x64xf32, #tpu.memory_space<hbm>>)
      %dma_wait3A_801 = arith.constant 384 : i32
      %dma_wait3A_802 = arith.constant 0 : i32
      %dma_wait3A_803 = tpu.memref_slice %arg16[%dma_wait3A_801, %dma_wait3A_802] : memref<640x64xf32, #tpu.memory_space<vmem>> -> memref<128x64xf32, #tpu.memory_space<vmem>>
      %dma_wait3A_804 = arith.constant 64 : i32
      %dma_wait3A_805 = tpu.memref_slice %arg9[%select_n3A_627, %sub3A_630, %dma_wait3A_804] : memref<50x4096x128xf32, #tpu.memory_space<hbm>> -> memref<1x128x64xf32, #tpu.memory_space<hbm>>
      %dma_wait3A_806 = tpu.memref_squeeze %dma_wait3A_805 : memref<1x128x64xf32, #tpu.memory_space<hbm>> -> memref<128x64xf32, #tpu.memory_space<hbm>>
      %dma_wait3A_807 = arith.constant 64 : i32
      %dma_wait3A_808 = tpu.memref_slice %arg9[%select_n3A_627, %sub3A_630, %dma_wait3A_807] : memref<50x4096x128xf32, #tpu.memory_space<hbm>> -> memref<1x128x64xf32, #tpu.memory_space<hbm>>
      %dma_wait3A_809 = tpu.memref_squeeze %dma_wait3A_808 : memref<1x128x64xf32, #tpu.memory_space<hbm>> -> memref<128x64xf32, #tpu.memory_space<hbm>>
      %dma_wait3A_810 = arith.constant 384 : i32
      %dma_wait3A_811 = arith.constant 0 : i32
      %dma_wait3A_812 = tpu.memref_slice %arg16[%dma_wait3A_810, %dma_wait3A_811] : memref<640x64xf32, #tpu.memory_space<vmem>> -> memref<128x64xf32, #tpu.memory_space<vmem>>
      tpu.wait_dma2 semaphore(%arg21 : memref<!tpu.dma_semaphore, #tpu.memory_space<semaphore_mem>>) src(%dma_wait3A_812 : memref<128x64xf32, #tpu.memory_space<vmem>>) dst(%dma_wait3A_809 : memref<128x64xf32, #tpu.memory_space<hbm>>)
      %dma_wait3A_813 = arith.constant 512 : i32
      %dma_wait3A_814 = arith.constant 0 : i32
      %dma_wait3A_815 = tpu.memref_slice %arg16[%dma_wait3A_813, %dma_wait3A_814] : memref<640x64xf32, #tpu.memory_space<vmem>> -> memref<128x64xf32, #tpu.memory_space<vmem>>
      %dma_wait3A_816 = arith.constant 64 : i32
      %dma_wait3A_817 = tpu.memref_slice %arg9[%select_n3A_680, %sub3A_683, %dma_wait3A_816] : memref<50x4096x128xf32, #tpu.memory_space<hbm>> -> memref<1x128x64xf32, #tpu.memory_space<hbm>>
      %dma_wait3A_818 = tpu.memref_squeeze %dma_wait3A_817 : memref<1x128x64xf32, #tpu.memory_space<hbm>> -> memref<128x64xf32, #tpu.memory_space<hbm>>
      %dma_wait3A_819 = arith.constant 64 : i32
      %dma_wait3A_820 = tpu.memref_slice %arg9[%select_n3A_680, %sub3A_683, %dma_wait3A_819] : memref<50x4096x128xf32, #tpu.memory_space<hbm>> -> memref<1x128x64xf32, #tpu.memory_space<hbm>>
      %dma_wait3A_821 = tpu.memref_squeeze %dma_wait3A_820 : memref<1x128x64xf32, #tpu.memory_space<hbm>> -> memref<128x64xf32, #tpu.memory_space<hbm>>
      %dma_wait3A_822 = arith.constant 512 : i32
      %dma_wait3A_823 = arith.constant 0 : i32
      %dma_wait3A_824 = tpu.memref_slice %arg16[%dma_wait3A_822, %dma_wait3A_823] : memref<640x64xf32, #tpu.memory_space<vmem>> -> memref<128x64xf32, #tpu.memory_space<vmem>>
      tpu.wait_dma2 semaphore(%arg21 : memref<!tpu.dma_semaphore, #tpu.memory_space<semaphore_mem>>) src(%dma_wait3A_824 : memref<128x64xf32, #tpu.memory_space<vmem>>) dst(%dma_wait3A_821 : memref<128x64xf32, #tpu.memory_space<hbm>>)
    }
    %scan3A_69 = arith.constant 10 : i32
    return
  }
}

module attributes {stable_mosaic.version = 14 : i64} {
  func.func @_tc_body(%arg0: i32, %arg1: memref<50x128x128xf32, #tpu.memory_space<vmem>>, %arg2: memref<128x128xf32, #tpu.memory_space<vmem>>, %arg3: memref<1x1x128xi32, #tpu.memory_space<vmem>>, %arg4: memref<1x1x128xf32, #tpu.memory_space<vmem>>, %arg5: memref<128x32xf32, #tpu.memory_space<vmem>>, %arg6: memref<128x32xf32, #tpu.memory_space<vmem>>, %arg7: memref<128x32xf32, #tpu.memory_space<vmem>>, %arg8: memref<16x1xf32, #tpu.memory_space<vmem>>, %arg9: memref<8x16xf32, #tpu.memory_space<vmem>>, %arg10: memref<8x1xf32, #tpu.memory_space<vmem>>, %arg11: memref<8x1xf32, #tpu.memory_space<vmem>>, %arg12: memref<1x1xf32, #tpu.memory_space<vmem>>, %arg13: memref<1x1x128xf32, #tpu.memory_space<vmem>>) attributes {dimension_semantics = [#tpu.dimension_semantics<arbitrary>], iteration_bounds = array<i64: 32>, scalar_prefetch = 0 : i64, scratch_operands = 0 : i64, tpu.core_type = #tpu.core_type<tc>, window_params = [{transform_indices = @transform_0, window_bounds = array<i64: 50, 128, 128>}, {transform_indices = @transform_1, window_bounds = array<i64: 128, 128>}, {transform_indices = @transform_2, window_bounds = array<i64: 1, 1, 128>}, {transform_indices = @transform_3, window_bounds = array<i64: 1, 1, 128>}, {pipeline_mode = #tpu.pipeline_mode<synchronous>, transform_indices = @transform_4, window_bounds = array<i64: 128, 32>}, {pipeline_mode = #tpu.pipeline_mode<synchronous>, transform_indices = @transform_5, window_bounds = array<i64: 128, 32>}, {pipeline_mode = #tpu.pipeline_mode<synchronous>, transform_indices = @transform_6, window_bounds = array<i64: 128, 32>}, {pipeline_mode = #tpu.pipeline_mode<synchronous>, transform_indices = @transform_7, window_bounds = array<i64: 16, 1>}, {pipeline_mode = #tpu.pipeline_mode<synchronous>, transform_indices = @transform_8, window_bounds = array<i64: 8, 16>}, {pipeline_mode = #tpu.pipeline_mode<synchronous>, transform_indices = @transform_9, window_bounds = array<i64: 8, 1>}, {pipeline_mode = #tpu.pipeline_mode<synchronous>, transform_indices = @transform_10, window_bounds = array<i64: 8, 1>}, {pipeline_mode = #tpu.pipeline_mode<synchronous>, transform_indices = @transform_11, window_bounds = array<i64: 1, 1>}, {transform_indices = @transform_12, window_bounds = array<i64: 1, 1, 128>}]} {
    %get3A = arith.constant 0 : index
    %get3A_0 = arith.constant 0 : index
    %get3A_1 = arith.constant 0 : index
    %get3A_2 = vector.load %arg1[%get3A, %get3A_0, %get3A_1] : memref<50x128x128xf32, #tpu.memory_space<vmem>>, vector<50x128x128xf32>
    %get3A_3 = arith.constant 0 : index
    %get3A_4 = arith.constant 0 : index
    %get3A_5 = vector.load %arg2[%get3A_3, %get3A_4] : memref<128x128xf32, #tpu.memory_space<vmem>>, vector<128x128xf32>
    %reshape3A = vector.shape_cast %get3A_2 : vector<50x128x128xf32> to vector<6400x128xf32>
    %broadcast_in_dim3A = vector.shape_cast %get3A_5 : vector<128x128xf32> to vector<1x128x128xf32>
    %broadcast_in_dim3A_6 = vector.shape_cast %broadcast_in_dim3A : vector<1x128x128xf32> to vector<1x128x128xf32>
    %broadcast_in_dim3A_7 = vector.broadcast %broadcast_in_dim3A_6 : vector<1x128x128xf32> to vector<50x128x128xf32>
    %mul3A = arith.mulf %broadcast_in_dim3A_7, %get3A_2 : vector<50x128x128xf32>
    %reshape3A_8 = vector.shape_cast %mul3A : vector<50x128x128xf32> to vector<6400x128xf32>
    %get3A_9 = arith.constant 0 : index
    %get3A_10 = arith.constant 0 : index
    %get3A_11 = vector.load %arg5[%get3A_9, %get3A_10] : memref<128x32xf32, #tpu.memory_space<vmem>>, vector<128x32xf32>
    %dot_general3A = arith.constant dense<0.000000e+00> : vector<6400x32xf32>
    %dot_general3A_12 = tpu.matmul %reshape3A, %get3A_11, %dot_general3A {dimension_numbers = #tpu.dot_dimension_numbers<[1], [0], [0], [1], [0, 0, 1, 1], [], []>, transpose_lhs_hint = false} : vector<6400x128xf32>, vector<128x32xf32>, vector<6400x32xf32> -> vector<6400x32xf32>
    %get3A_13 = arith.constant 0 : index
    %get3A_14 = arith.constant 0 : index
    %get3A_15 = vector.load %arg6[%get3A_13, %get3A_14] : memref<128x32xf32, #tpu.memory_space<vmem>>, vector<128x32xf32>
    %dot_general3A_16 = arith.constant dense<0.000000e+00> : vector<6400x32xf32>
    %dot_general3A_17 = tpu.matmul %reshape3A_8, %get3A_15, %dot_general3A_16 {dimension_numbers = #tpu.dot_dimension_numbers<[1], [0], [0], [1], [0, 0, 1, 1], [], []>, transpose_lhs_hint = false} : vector<6400x128xf32>, vector<128x32xf32>, vector<6400x32xf32> -> vector<6400x32xf32>
    %add3A = arith.addf %dot_general3A_12, %dot_general3A_17 : vector<6400x32xf32>
    %transpose3A = tpu.transpose %add3A, [1, 0] : vector<6400x32xf32> -> vector<32x6400xf32>
    %get3A_18 = arith.constant 0 : index
    %get3A_19 = arith.constant 0 : index
    %get3A_20 = vector.load %arg7[%get3A_18, %get3A_19] : memref<128x32xf32, #tpu.memory_space<vmem>>, vector<128x32xf32>
    %dot_general3A_21 = arith.constant dense<0.000000e+00> : vector<128x32xf32>
    %dot_general3A_22 = tpu.matmul %get3A_5, %get3A_20, %dot_general3A_21 {dimension_numbers = #tpu.dot_dimension_numbers<[1], [0], [0], [1], [0, 0, 1, 1], [], []>, transpose_lhs_hint = false} : vector<128x128xf32>, vector<128x32xf32>, vector<128x32xf32> -> vector<128x32xf32>
    %transpose3A_23 = tpu.transpose %dot_general3A_22, [1, 0] : vector<128x32xf32> -> vector<32x128xf32>
    %slice3A = vector.extract_strided_slice %transpose3A_23 {offsets = [0, 0], sizes = [16, 128], strides = [1, 1]} : vector<32x128xf32> to vector<16x128xf32>
    %broadcast_in_dim3A_24 = vector.shape_cast %slice3A : vector<16x128xf32> to vector<16x1x128xf32>
    %broadcast_in_dim3A_25 = vector.shape_cast %broadcast_in_dim3A_24 : vector<16x1x128xf32> to vector<16x1x128xf32>
    %broadcast_in_dim3A_26 = vector.broadcast %broadcast_in_dim3A_25 : vector<16x1x128xf32> to vector<16x50x128xf32>
    %reshape3A_27 = vector.shape_cast %broadcast_in_dim3A_26 : vector<16x50x128xf32> to vector<16x6400xf32>
    %slice3A_28 = vector.extract_strided_slice %transpose3A {offsets = [0, 0], sizes = [16, 6400], strides = [1, 1]} : vector<32x6400xf32> to vector<16x6400xf32>
    %add3A_29 = arith.addf %slice3A_28, %reshape3A_27 : vector<16x6400xf32>
    %get3A_30 = arith.constant 0 : index
    %get3A_31 = arith.constant 0 : index
    %get3A_32 = vector.load %arg8[%get3A_30, %get3A_31] : memref<16x1xf32, #tpu.memory_space<vmem>>, vector<16x1xf32>
    %add3A_33 = vector.broadcast %get3A_32 : vector<16x1xf32> to vector<16x6400xf32>
    %add3A_34 = arith.addf %add3A_29, %add3A_33 : vector<16x6400xf32>
    %logistic3A = arith.negf %add3A_34 : vector<16x6400xf32>
    %logistic3A_35 = math.exp %logistic3A : vector<16x6400xf32>
    %logistic3A_36 = arith.constant 1.000000e+00 : f32
    %logistic3A_37 = vector.broadcast %logistic3A_36 : f32 to vector<16x6400xf32>
    %logistic3A_38 = arith.addf %logistic3A_37, %logistic3A_35 : vector<16x6400xf32>
    %logistic3A_39 = arith.divf %logistic3A_37, %logistic3A_38 : vector<16x6400xf32>
    %get3A_40 = arith.constant 0 : index
    %get3A_41 = arith.constant 0 : index
    %get3A_42 = vector.load %arg9[%get3A_40, %get3A_41] : memref<8x16xf32, #tpu.memory_space<vmem>>, vector<8x16xf32>
    %dot_general3A_43 = arith.constant dense<0.000000e+00> : vector<8x6400xf32>
    %dot_general3A_44 = tpu.matmul %get3A_42, %logistic3A_39, %dot_general3A_43 {dimension_numbers = #tpu.dot_dimension_numbers<[1], [0], [0], [1], [0, 0, 1, 1], [], []>, transpose_lhs_hint = false} : vector<8x16xf32>, vector<16x6400xf32>, vector<8x6400xf32> -> vector<8x6400xf32>
    %get3A_45 = arith.constant 0 : index
    %get3A_46 = arith.constant 0 : index
    %get3A_47 = vector.load %arg10[%get3A_45, %get3A_46] : memref<8x1xf32, #tpu.memory_space<vmem>>, vector<8x1xf32>
    %add3A_48 = vector.broadcast %get3A_47 : vector<8x1xf32> to vector<8x6400xf32>
    %add3A_49 = arith.addf %dot_general3A_44, %add3A_48 : vector<8x6400xf32>
    %logistic3A_50 = arith.negf %add3A_49 : vector<8x6400xf32>
    %logistic3A_51 = math.exp %logistic3A_50 : vector<8x6400xf32>
    %logistic3A_52 = arith.constant 1.000000e+00 : f32
    %logistic3A_53 = vector.broadcast %logistic3A_52 : f32 to vector<8x6400xf32>
    %logistic3A_54 = arith.addf %logistic3A_53, %logistic3A_51 : vector<8x6400xf32>
    %logistic3A_55 = arith.divf %logistic3A_53, %logistic3A_54 : vector<8x6400xf32>
    %get3A_56 = arith.constant 0 : index
    %get3A_57 = arith.constant 0 : index
    %get3A_58 = vector.load %arg11[%get3A_56, %get3A_57] : memref<8x1xf32, #tpu.memory_space<vmem>>, vector<8x1xf32>
    %mul3A_59 = vector.broadcast %get3A_58 : vector<8x1xf32> to vector<8x6400xf32>
    %mul3A_60 = arith.mulf %logistic3A_55, %mul3A_59 : vector<8x6400xf32>
    %reduce_sum3A = arith.constant dense<0.000000e+00> : vector<6400xf32>
    %reduce_sum3A_61 = vector.multi_reduction <add>, %mul3A_60, %reduce_sum3A [0] : vector<8x6400xf32> to vector<6400xf32>
    %broadcast_in_dim3A_62 = vector.shape_cast %reduce_sum3A_61 : vector<6400xf32> to vector<1x6400xf32>
    %reshape3A_63 = vector.shape_cast %broadcast_in_dim3A_62 : vector<1x6400xf32> to vector<50x128xf32>
    %slice3A_64 = vector.extract_strided_slice %transpose3A {offsets = [16, 0], sizes = [1, 6400], strides = [1, 1]} : vector<32x6400xf32> to vector<1x6400xf32>
    %reshape3A_65 = vector.shape_cast %slice3A_64 : vector<1x6400xf32> to vector<50x128xf32>
    %get3A_66 = arith.constant 0 : index
    %get3A_67 = arith.constant 0 : index
    %get3A_68 = arith.constant 0 : index
    %get3A_69 = vector.load %arg3[%get3A_66, %get3A_67, %get3A_68] : memref<1x1x128xi32, #tpu.memory_space<vmem>>, vector<1x1x128xi32>
    %get3A_70 = vector.shape_cast %get3A_69 : vector<1x1x128xi32> to vector<1x128xi32>
    %iota3A = tpu.iota {dimensions = array<i32: 0>} : vector<50x128xi32>
    %lt3A = vector.broadcast %get3A_70 : vector<1x128xi32> to vector<50x128xi32>
    %lt3A_71 = arith.cmpi slt, %iota3A, %lt3A : vector<50x128xi32>
    %jit3A = arith.constant -4.2949673E+9 : f32
    %broadcast_in_dim3A_72 = vector.broadcast %jit3A : f32 to vector<50x128xf32>
    %select_n3A = arith.select %lt3A_71, %reshape3A_63, %broadcast_in_dim3A_72 : vector<50x128xi1>, vector<50x128xf32>
    %mul3A_73 = arith.constant 0.0883883461 : f32
    %mul3A_74 = vector.broadcast %mul3A_73 : f32 to vector<50x128xf32>
    %mul3A_75 = arith.mulf %select_n3A, %mul3A_74 : vector<50x128xf32>
    %reduce_max3A = arith.constant dense<0xFF800000> : vector<128xf32>
    %reduce_max3A_76 = vector.multi_reduction <maximumf>, %mul3A_75, %reduce_max3A [0] : vector<50x128xf32> to vector<128xf32>
    %broadcast_in_dim3A_77 = vector.shape_cast %reduce_max3A_76 : vector<128xf32> to vector<1x128xf32>
    %sub3A = vector.broadcast %broadcast_in_dim3A_77 : vector<1x128xf32> to vector<50x128xf32>
    %sub3A_78 = arith.subf %mul3A_75, %sub3A : vector<50x128xf32>
    %exp3A = math.exp %sub3A_78 : vector<50x128xf32>
    %reduce_sum3A_79 = arith.constant dense<0.000000e+00> : vector<128xf32>
    %reduce_sum3A_80 = vector.multi_reduction <add>, %exp3A, %reduce_sum3A_79 [0] : vector<50x128xf32> to vector<128xf32>
    %broadcast_in_dim3A_81 = vector.shape_cast %reduce_sum3A_80 : vector<128xf32> to vector<1x128xf32>
    %div3A = vector.broadcast %broadcast_in_dim3A_81 : vector<1x128xf32> to vector<50x128xf32>
    %div3A_82 = arith.divf %exp3A, %div3A : vector<50x128xf32>
    %mul3A_83 = arith.mulf %div3A_82, %reshape3A_65 : vector<50x128xf32>
    %reduce_sum3A_84 = arith.constant dense<0.000000e+00> : vector<128xf32>
    %reduce_sum3A_85 = vector.multi_reduction <add>, %mul3A_83, %reduce_sum3A_84 [0] : vector<50x128xf32> to vector<128xf32>
    %broadcast_in_dim3A_86 = vector.shape_cast %reduce_sum3A_85 : vector<128xf32> to vector<1x128xf32>
    %slice3A_87 = vector.extract_strided_slice %transpose3A_23 {offsets = [16, 0], sizes = [1, 128], strides = [1, 1]} : vector<32x128xf32> to vector<1x128xf32>
    %add3A_88 = arith.addf %broadcast_in_dim3A_86, %slice3A_87 : vector<1x128xf32>
    %get3A_89 = arith.constant 0 : index
    %get3A_90 = arith.constant 0 : index
    %get3A_91 = arith.constant 0 : index
    %get3A_92 = vector.load %arg4[%get3A_89, %get3A_90, %get3A_91] : memref<1x1x128xf32, #tpu.memory_space<vmem>>, vector<1x1x128xf32>
    %get3A_93 = vector.shape_cast %get3A_92 : vector<1x1x128xf32> to vector<1x128xf32>
    %add3A_94 = arith.addf %add3A_88, %get3A_93 : vector<1x128xf32>
    %get3A_95 = arith.constant 0 : index
    %get3A_96 = arith.constant 0 : index
    %get3A_97 = vector.load %arg12[%get3A_95, %get3A_96] : memref<1x1xf32, #tpu.memory_space<vmem>>, vector<1x1xf32>
    %get3A_98 = vector.extract %get3A_97[0, 0] : f32 from vector<1x1xf32>
    %add3A_99 = vector.broadcast %get3A_98 : f32 to vector<1x128xf32>
    %add3A_100 = arith.addf %add3A_94, %add3A_99 : vector<1x128xf32>
    %swap3A = arith.constant 0 : index
    %swap3A_101 = arith.constant 0 : index
    %swap3A_102 = arith.constant 0 : index
    %swap3A_103 = vector.load %arg13[%swap3A, %swap3A_101, %swap3A_102] : memref<1x1x128xf32, #tpu.memory_space<vmem>>, vector<1x1x128xf32>
    %swap3A_104 = vector.shape_cast %swap3A_103 : vector<1x1x128xf32> to vector<1x128xf32>
    %swap3A_105 = vector.shape_cast %add3A_100 : vector<1x128xf32> to vector<1x1x128xf32>
    tpu.vector_store %arg13[%swap3A, %swap3A_101, %swap3A_102], %swap3A_105 {strides = array<i32>} : memref<1x1x128xf32, #tpu.memory_space<vmem>>, vector<1x1x128xf32>,
    return
  }
  func.func @transform_0(%arg0: i32) -> (i32, i32, i32) {
    %c0_i32 = arith.constant 0 : i32
    %c0_i32_0 = arith.constant 0 : i32
    %c0_i32_1 = arith.constant 0 : i32
    return %c0_i32, %arg0, %c0_i32_0 : i32, i32, i32
  }
  func.func @transform_1(%arg0: i32) -> (i32, i32) {
    %c0_i32 = arith.constant 0 : i32
    %c0_i32_0 = arith.constant 0 : i32
    return %arg0, %c0_i32 : i32, i32
  }
  func.func @transform_2(%arg0: i32) -> (i32, i32, i32) {
    %c0_i32 = arith.constant 0 : i32
    %c0_i32_0 = arith.constant 0 : i32
    %c0_i32_1 = arith.constant 0 : i32
    return %arg0, %c0_i32, %c0_i32_0 : i32, i32, i32
  }
  func.func @transform_3(%arg0: i32) -> (i32, i32, i32) {
    %c0_i32 = arith.constant 0 : i32
    %c0_i32_0 = arith.constant 0 : i32
    %c0_i32_1 = arith.constant 0 : i32
    return %arg0, %c0_i32, %c0_i32_0 : i32, i32, i32
  }
  func.func @transform_4(%arg0: i32) -> (i32, i32) {
    %c0_i32 = arith.constant 0 : i32
    %c0_i32_0 = arith.constant 0 : i32
    %c0_i32_1 = arith.constant 0 : i32
    return %c0_i32, %c0_i32_0 : i32, i32
  }
  func.func @transform_5(%arg0: i32) -> (i32, i32) {
    %c0_i32 = arith.constant 0 : i32
    %c0_i32_0 = arith.constant 0 : i32
    %c0_i32_1 = arith.constant 0 : i32
    return %c0_i32, %c0_i32_0 : i32, i32
  }
  func.func @transform_6(%arg0: i32) -> (i32, i32) {
    %c0_i32 = arith.constant 0 : i32
    %c0_i32_0 = arith.constant 0 : i32
    %c0_i32_1 = arith.constant 0 : i32
    return %c0_i32, %c0_i32_0 : i32, i32
  }
  func.func @transform_7(%arg0: i32) -> (i32, i32) {
    %c0_i32 = arith.constant 0 : i32
    %c0_i32_0 = arith.constant 0 : i32
    %c0_i32_1 = arith.constant 0 : i32
    return %c0_i32, %c0_i32_0 : i32, i32
  }
  func.func @transform_8(%arg0: i32) -> (i32, i32) {
    %c0_i32 = arith.constant 0 : i32
    %c0_i32_0 = arith.constant 0 : i32
    %c0_i32_1 = arith.constant 0 : i32
    return %c0_i32, %c0_i32_0 : i32, i32
  }
  func.func @transform_9(%arg0: i32) -> (i32, i32) {
    %c0_i32 = arith.constant 0 : i32
    %c0_i32_0 = arith.constant 0 : i32
    %c0_i32_1 = arith.constant 0 : i32
    return %c0_i32, %c0_i32_0 : i32, i32
  }
  func.func @transform_10(%arg0: i32) -> (i32, i32) {
    %c0_i32 = arith.constant 0 : i32
    %c0_i32_0 = arith.constant 0 : i32
    %c0_i32_1 = arith.constant 0 : i32
    return %c0_i32, %c0_i32_0 : i32, i32
  }
  func.func @transform_11(%arg0: i32) -> (i32, i32) {
    %c0_i32 = arith.constant 0 : i32
    %c0_i32_0 = arith.constant 0 : i32
    %c0_i32_1 = arith.constant 0 : i32
    return %c0_i32, %c0_i32_0 : i32, i32
  }
  func.func @transform_12(%arg0: i32) -> (i32, i32, i32) {
    %c0_i32 = arith.constant 0 : i32
    %c0_i32_0 = arith.constant 0 : i32
    %c0_i32_1 = arith.constant 0 : i32
    return %arg0, %c0_i32, %c0_i32_0 : i32, i32, i32
  }
}

</mosaic_0001>

<sc_bundles>
// kernel: kernel.4.cloned.1.call-start
scs
__scs_entry_jumppad:
0x0: {  	(pc) =	sbr.rel $0x88, $3  }
0x1: {  	(tag) =	ssettag $0x0;
	lr =	simm.s32 $0x1  }
0x2: {  	[smem:$0x3F8A] =	sst lr;
	_ =	strace $0xD0000000  }
0x3: {  	_ = 	snop  }
0x4: {  	_ = 	snop  }
0x5: {  	_ = 	snop  }
0x6: {  	_ = 	snop  }
0x7: {  	_ = 	snop  }
__scs_overlays_trampoline_lowered:
0x8: {  	[smem:$0x3F99] =	sst s0  }
0x9: {  	[smem:$0x3F9A] =	sst s1  }
0xa: {  	[smem:$0x3F9B] =	sst s2  }
0xb: {  	[smem:$0x3F9C] =	sst s3  }
0xc: {  	[smem:$0x3F9D] =	sst s4  }
0xd: {  	[smem:$0x3F9E] =	sst s5  }
0xe: {  	[smem:$0x3F9F] =	sst s6  }
0xf: {  	[smem:$0x3FA0] =	sst s7  }
0x10: {  	[smem:$0x3FA1] =	sst s8  }
0x11: {  	[smem:$0x3FA2] =	sst s9;
	s0 =	simm.s32 @!p0 $0x0  }
0x12: {  	s1 =	sld [smem:$0x3F88];
	s0 =	simm.s32 @p0 $0x1  }
0x13: {  	[smem:$0x3FA3] =	sst s0;
	s0 =	simm.s32 @!p1 $0x0  }
0x14: {  	s2 =	sld [smem:$0x3F87];
	s0 =	simm.s32 @p1 $0x1  }
0x15: {  	[smem:$0x3FA4] =	sst s0;
	s0 =	simm.s32 @!p2 $0x0  }
0x16: {  	s3 =	sld [smem:$0x3FDB];
	s0 =	simm.s32 @p2 $0x1  }
0x17: {  	s4 =	simm.s32 $0x1BF5;
	[smem:$0x3FA6] =	sst s0  }
0x18: {  	s0 =	sld [smem:$0x3F89];
	_ =	swait.ge [sflag:s4], $0x0  }
0x19: {  	s7 =	sld [smem:$0x3F8A]  }
0x1a: {  	s8 =	sadd.s32 $0xFFFFE003, lr  }
0x1b: {  	s9 =	sadd.s32 $0xFFFFFEF7, lr;
	s5 =	simm.s32 $0xFFFFFFFF;
	p2 =	slt.u32 s8, $0xFFFFF086  }
0x1c: {  	p1 =	slt.u32 s9, $0xF7A;
	s5 =	simm.s32 @!p2 $0x0  }
0x1d: {  	s5 =	simm.s32 @p1 $0x1;
	p0 =	seq.s32 s7, s2  }
0x1e: {  	s7 =	smul.u32 @!p0 $0xF7A, s2;
	p2 =	seq.s32 @!p0 s5, $0x0  }
0x1f: {  	s9 =	smul.u32 $0xF7A, s1;
	s8 =	simm.s32 @!p0 $0x1BF5;
	p2 =	por !p2, p0  }
0x20: {  	[sflag:s8] =	ssyncset.s32 @!p0 $0xFFFFF086;
	s6 =	sadd.s32 @!p0 s3, s7;
	s7 =	simm.s32 @!p0 $0x108  }
0x21: {  	s3 =	sadd.s32 s3, s9;
	s6 =	sadd.s32 @!p0 $0x88, s6;
	s7 =	simm.s32 @p2 $0x1082  }
0x22: {  	[simem:s7], [sflag:s8] =	dma.local @!p0 [hbm:s6], $0xF7A  }
0x23: {  	s9 =	sor.u32 $0xD0000000, s2;
	s6 =	simm.s32 $0x108;
	_ =	swait.ge @!p0 [sflag:s8], $0x0  }
0x24: {  	s3 =	sadd.s32 $0x88, s3;
	s6 =	simm.s32 @!p1 $0x1082;
	[sflag:s4] =	ssyncset.s32 $0xFFFFF086  }
0x25: {  	[simem:s6], [sflag:s4] =	dma.local [hbm:s3], $0xF7A  }
0x26: {  	[smem:$0x3F8A] =	sst s1;
	(tag) =	ssettag s2;
	_ =	strace s9  }
0x27: {  	s1 =	sld [smem:$0x3F9A]  }
0x28: {  	s2 =	sld [smem:$0x3F9B]  }
0x29: {  	s4 =	sld [smem:$0x3F9D]  }
0x2a: {  	p0 =	seq.s32 s5, $0x0;
	s5 =	sld [smem:$0x3F9E]  }
0x2b: {  	s6 =	sld [smem:$0x3F9F]  }
0x2c: {  	s7 =	sld [smem:$0x3FA0]  }
0x2d: {  	s3 =	simm.s32 $0x108;
	s8 =	sld [smem:$0x3FA1]  }
0x2e: {  	s3 =	simm.s32 @!p0 $0x1082;
	s9 =	sld [smem:$0x3FA2]  }
0x2f: {  	lr =	sadd.s32 s0, s3;
	s0 =	sld [smem:$0x3F99]  }
0x30: {  	s3 =	sld [smem:$0x3F9C]  }
0x31: {  	[smem:$0x3FA5] =	sst s10  }
0x32: {  	s10 =	sld [smem:$0x3FA3];
	_ =	sdelay $0x3  }
0x33: {  	p0 =	seq.s32 s10, $0x1;
	s10 =	sld [smem:$0x3FA5];
	_ =	sdelay $0x3  }
0x34: {  	[smem:$0x3FA5] =	sst s10  }
0x35: {  	s10 =	sld [smem:$0x3FA4];
	_ =	sdelay $0x3  }
0x36: {  	p1 =	seq.s32 s10, $0x1;
	s10 =	sld [smem:$0x3FA5];
	_ =	sdelay $0x3  }
0x37: {  	[smem:$0x3FA5] =	sst s10  }
0x38: {  	s10 =	sld [smem:$0x3FA6]  }
0x39: {  	_ = 	snop;
	(pc) =	sbr.ind lr, $3  }
0x3a: {  	_ = 	snop  }
0x3b: {  	_ = 	snop  }
0x3c: {  	p2 =	seq.s32 s10, $0x1;
	s10 =	sld [smem:$0x3FA5]  }
0x3d: {  	_ =	shalt  }
0x3e: {  	_ =	shalt  }
0x3f: {  	_ =	shalt  }
0x40: {  	_ =	shalt  }
0x41: {  	_ =	shalt  }
0x42: {  	_ =	shalt  }
0x43: {  	_ =	shalt  }
0x44: {  	_ =	shalt  }
0x45: {  	_ =	shalt  }
0x46: {  	_ =	shalt  }
0x47: {  	_ =	shalt  }
0x48: {  	_ =	shalt  }
0x49: {  	_ =	shalt  }
0x4a: {  	_ =	shalt  }
0x4b: {  	_ =	shalt  }
0x4c: {  	_ =	shalt  }
0x4d: {  	_ =	shalt  }
0x4e: {  	_ =	shalt  }
0x4f: {  	_ =	shalt  }
0x50: {  	_ =	shalt  }
0x51: {  	_ =	shalt  }
0x52: {  	_ =	shalt  }
0x53: {  	_ =	shalt  }
0x54: {  	_ =	shalt  }
0x55: {  	_ =	shalt  }
0x56: {  	_ =	shalt  }
0x57: {  	_ =	shalt  }
0x58: {  	_ =	shalt  }
0x59: {  	_ =	shalt  }
0x5a: {  	_ =	shalt  }
0x5b: {  	_ =	shalt  }
0x5c: {  	_ =	shalt  }
0x5d: {  	_ =	shalt  }
0x5e: {  	_ =	shalt  }
0x5f: {  	_ =	shalt  }
0x60: {  	_ =	shalt  }
0x61: {  	_ =	shalt  }
0x62: {  	_ =	shalt  }
0x63: {  	_ =	shalt  }
0x64: {  	_ =	shalt  }
0x65: {  	_ =	shalt  }
0x66: {  	_ =	shalt  }
0x67: {  	_ =	shalt  }
0x68: {  	_ =	shalt  }
0x69: {  	_ =	shalt  }
0x6a: {  	_ =	shalt  }
0x6b: {  	_ =	shalt  }
0x6c: {  	_ =	shalt  }
0x6d: {  	_ =	shalt  }
0x6e: {  	_ =	shalt  }
0x6f: {  	_ =	shalt  }
0x70: {  	_ =	shalt  }
0x71: {  	_ =	shalt  }
0x72: {  	_ =	shalt  }
0x73: {  	_ =	shalt  }
0x74: {  	_ =	shalt  }
0x75: {  	_ =	shalt  }
0x76: {  	_ =	shalt  }
0x77: {  	_ =	shalt  }
0x78: {  	_ =	shalt  }
0x79: {  	_ =	shalt  }
0x7a: {  	_ =	shalt  }
0x7b: {  	_ =	shalt  }
0x7c: {  	_ =	shalt  }
0x7d: {  	_ =	shalt  }
0x7e: {  	_ =	shalt  }
0x7f: {  	_ =	shalt  }
0x80: {  	_ =	shalt  }
0x81: {  	_ =	shalt  }
0x82: {  	_ =	shalt  }
0x83: {  	_ =	shalt  }
0x84: {  	_ =	shalt  }
0x85: {  	_ =	shalt  }
0x86: {  	_ =	shalt  }
0x87: {  	_ =	shalt  }
.Lfunc_end0:
.L_simem_size_0:
called_computation_lowered:
.L_overlay_start_0:
0x88: {  	s2 =	sld [smem:$0x3FD9]  }
0x89: {  	s3 =	sld [smem:$0x3FFE];
	_ =	sdelay $0x1  }
0x8a: {  	s1 =	srdreg.scid  }
0x8b: {  	s0 =	sand.u32 $0x1, s1  }
0x8c: {  	s17 =	sshll.u32 s0, $0xA;
	s2 =	sadd.s32 s3, s2  }
0x8d: {  	s2 =	sadd.s32 s2, s17  }
0x8e: {  	[smem:$0x3FB1] =	sst s2  }
0x8f: {  	_ = 	snop  }
0x90: {  	s2 =	sld [smem:$0x3FC9]  }
0x91: {  	s18 =	sld [smem:$0x3FC8]  }
0x92: {  	s4 =	sld [smem:$0x3FC2]  }
0x93: {  	s5 =	sld [smem:$0x3FD0];
	(tm) =	ssettm $0x1  }
0x94: {  	s6 =	sld [smem:$0x3FFB];
	_ =	sdelay $0x3  }
0x95: {  	_ =	strace s6  }
0x96: {  	s6 =	sld [smem:$0x3FFC];
	_ =	sdelay $0x3  }
0x97: {  	_ =	strace s6  }
0x98: {  	s6 =	sld [smem:$0x3FFD];
	_ =	sdelay $0x3  }
0x99: {  	_ =	strace s6  }
0x9a: {  	_ =	strace $0x8FFFFFFF  }
0x9b: {  	s19 =	sld [smem:$0x3FDB];
	_ =	sdelay $0x1  }
0x9c: {  	s7 =	simm.s32 $_scs_section_size  }
0x9d: {  	s8 =	simm.s32 $_size__tile_overlayer_lowered;
	s9 =	simm.s32 $_tile_overlayer_lowered  }
0x9e: {  	s22 =	simm.s32 $0x1BFF;
	s21 =	sshll.u32 s9, $0x1;
	s6 =	sadd.s32 s7, s19  }
0x9f: {  	s10 =	simm.s32 $0x0;
	s20 =	sshll.u32 s8, $0x1;
	s8 =	sadd.s32 s21, s6  }
0xa0: {  	[timem:s10], [sflag:s22] =	dma.local [hbm:s8], s20  }
0xa1: {  	_ =	swait.ge [sflag:s22], s20  }
0xa2: {  	s7 =	ssub.s32 $0x0, s20;
	[sflag:s22] =	ssyncset.done $0x0  }
0xa3: {  	[sflag:s22] =	ssyncadd.s32 s7;
	_ =	sdelay $0x1  }
0xa4: {  	s23 =	simm.s32 $0x1B8B  }
0xa5: {  	_ =	swait.ge [sflag:s23], $0x1  }
0xa6: {  	[sflag:s23] =	ssyncset.done $0x0  }
0xa7: {  	s25 =	simm.s32 $0x1B8E;
	s24 =	sld [smem:$0x3FFE];
	[sflag:s23] =	ssyncadd.s32 $0xFFFFFFFF  }
0xa8: {  	s26 =	simm.s32 $execute0_lowered;
	[smem:$0x3FD2] =	sst s25  }
0xa9: {  	s8 =	sshll.u32 s26, $0x1;
	_ =	strace $0x80000046;
	[dreg:$0x1] =	wrdreg $0xFFFFFFFF  }
0xaa: {  	s28 =	simm.s32 $_size_execute0_lowered;
	s6 =	sadd.s32 s6, s8;
	[dreg:$0x0] =	wrdreg $0x0  }
0xab: {  	s8 =	sshll.u32 s28, $0x1;
	[dreg:$0x2] =	wrdreg s6  }
0xac: {  	[dreg:$0x3] =	wrdreg s8  }
0xad: {  	[dreg:$0x4] =	wrdreg $0xC0  }
0xae: {  	_ =	task [dreg:s10], $0x5FFFF  }
0xaf: {  	[dreg:$0x1] =	wrdreg $0xFFFFFFFF  }
0xb0: {  	[dreg:$0x0] =	wrdreg $0x60  }
0xb1: {  	[dreg:$0x2] =	wrdreg s24  }
0xb2: {  	[dreg:$0x3] =	wrdreg s2  }
0xb3: {  	[dreg:$0x4] =	wrdreg s18  }
0xb4: {  	[dreg:$0x5] =	wrdreg s4  }
0xb5: {  	[dreg:$0x6] =	wrdreg s5  }
0xb6: {  	[dreg:$0x7] =	wrdreg $0x9  }
0xb7: {  	_ =	task.clear_ibuf [dreg:s10], $0x8FFFF;
	_ =	strace $0x90000046  }
0xb8: {  	s29 =	simm.s32 $0x9;
	_ =	strace $0x80000048  }
0xb9: {  	_ =	swait.ge [sflag:s29], $0x1  }
0xba: {  	[sflag:s29] =	ssyncadd.s32 $0xFFFFFFFF  }
0xbb: {  	_ =	strace $0x90000048  }
0xbc: {  	_ =	sfence  }
0xbd: {  	s30 =	sld [smem:$0x0];
	_ =	sdelay $0x2  }
0xbe: {  	s31 =	sshll.u32 s1, $0xD;
	s1 =	sshrl.u32 s1, $0x2  }
0xbf: {  	s3 =	sand.u32 $0x4000, s31;
	s1 =	sadd.s32 s1, s30  }
0xc0: {  	s0 =	sor.u32 s3, s0;
	s1 =	sshll.u32 s1, $0x11  }
0xc1: {  	s0 =	sor.u32 s1, s0  }
0xc2: {  	s0 =	sadd.s32 $0x8F2B, s0  }
0xc3: {  	[sflag:s0] =	ssyncadd.remote.s32 $0x1  }
0xc4: {  	_ =	sfence.sel $0xFFFF  }
0xc5: {  	[dreg:$0x0] =	wrdreg $0xFFFFFFFF;
	(pc) =	sbr.abs _section_cstart, $3  }
0xc6: {  	[dreg:$0x1] =	wrdreg $0xFFFFFFFF  }
0xc7: {  	_ =	task.clear_ibuf [dreg:s10], $0x2FFFF;
	_ =	strace $0x9FFFFFFF  }
0xc8: {  	(tm) =	ssettm $0x7FFFFFFF  }
0xc9: {  	_ =	shalt  }
tec
execute0_lowered:
.L_overlay_start_1:
0x0: {  	(tag) =	ssettag $0x1  }
0x1: {  	s0 =	rddreg [dreg:$0x0]  }
0x2: {  	s1 =	rddreg [dreg:$0x1]  }
0x3: {  	s2 =	srdreg.scid;
	s6 =	rddreg [dreg:$0x2]  }
0x4: {  	s5 =	stileid.u32;
	s8 =	rddreg [dreg:$0x4]  }
0x5: {  	s14 =	simm.s32 $0x3200;
	s15 =	simm.s32 $0x5;
	s16 =	simm.s32 $0x80  }
0x6: {  	s17 =	simm.s32 $0x3280;
	s18 =	simm.s32 $0x17280;
	s19 =	simm.s32 $0x3  }
0x7: {  	s28 =	simm.s32 $0x9280;
	s29 =	simm.s32 $0xB280;
	s30 =	simm.s32 $0xF280  }
0x8: {  	s31 =	simm.s32 $0x11280;
	s2 =	sand.u32 $0x1, s2;
	s3 =	sshll.u32 s5, $0x1  }
0x9: {  	s10 =	smul.u32 $0x32000, s5;
	s5 =	sadd.s32 $0xEA00, s0;
	s7 =	sor.u32 s2, s3  }
0xa: {  	s3 =	simm.s32 $0x0;
	s20 =	ssub.s32 $0x2, s2;
	s2 =	smul.u32 $0x19000, s2  }
0xb: {  	s4 =	smul.u32 $0x1900, s7;
	[smem:$0x7FF] =	sst s3;
	s11 =	sshll.u32 s7, $0xB  }
0xc: {  	s10 =	sadd.s32 s10, s0;
	s12 =	sshrl.u32 s20, $0x1;
	s7 =	sshll.u32 s7, $0x4  }
0xd: {  	_ =	strace $0x80000047;
	s13 =	ssub.s32 s20, s12;
	s1 =	sadd.s32 s1, s7  }
0xe: {  	s21 =	sadd.s32 s8, s7;
	s23 =	sadd.s32 s6, s7;
	[dreg:$0x7] =	wrdreg s1  }
0xf: {  	s24 =	sadd.s32 s2, s10;
	s20 =	simm.s32 $0x1;
	[dreg:$0x8] =	wrdreg s21  }
0x10: {  	s2 =	simm.s32 $0x4;
	s4 =	sshrl.u32 s4, $0x3;
	[dreg:$0xa] =	wrdreg s23  }
0x11: {  	s26 =	sadd.s32 $0x258A00, s24;
	s13 =	smax.u32 s13, $0x1;
	s21 =	simm.s32 $0x40  }
0x12: {  	s9 =	sadd.s32 s4, s0;
	s4 =	sadd.s32 $0x195400, s0;
	s0 =	sadd.s32 s11, s0  }
0x13: {  	s23 =	simm.s32 $0x2;
	[dreg:$0x6] =	wrdreg s26;
	s22 =	sadd.s32 $0xEE00, s0  }
0x14: {  	s1 =	simm.s32 $0x13280;
	s0 =	sadd.s32 $0xEE08, s0;
	[dreg:$0x9] =	wrdreg s22  }
0x15: {  	s24 =	simm.s32 $0x0;
	s25 =	sadd.s32 $0x2200, s9;
	[dreg:$0xb] =	wrdreg s0  }
0x16: {  	s26 =	simm.s32 $0x7280;
	s12 =	sadd.s32 $0x8600, s9;
	[dreg:$0xc] =	wrdreg s25  }
0x17: {  	s22 =	simm.s32 $0xD280;
	s25 =	simm.s32 $0x5280;
	s0 =	simm.s32 $0x15280  }
.LBB2_1:
0x18: {  	s6 =	rddreg [dreg:$0x7]  }
0x19: {  	[tilespmem:s14], [sflag:$0x5] =	stream.linear.gather [hbm4b:s6+s3], $0x80, $0x38;
	[tilespmem:$0x17300] =	vst v63  }
0x1a: {  	_ =	swait.ge [sflag:s15], $0x80  }
0x1b: {  	[sflag:s15] =	ssyncset.done $0x0  }
0x1c: {  	[sflag:s15] =	ssyncadd.s32 $0xFFFFFF80  }
0x1d: {  	[tilespmem:s17], [sflag:$0x1] =	stream.indirect.gather [hbm4b:s4+s16], $0x40, s14, s16, $0xb8;
	[tilespmem:$0x17300] =	vst v63  }
0x1e: {  	s11 =	rddreg [dreg:$0x3]  }
0x1f: {  	[tilespmem:s18], [sflag:$0x3] =	stream.indirect.gather [hbm4b:s11+s16], $0x1, s14, s16, $0xb8;
	[tilespmem:$0x17300] =	vst v63  }
0x20: {  	_ =	swait.ge [sflag:s19], $0x80  }
0x21: {  	[sflag:s19] =	ssyncset.done $0x0  }
0x22: {  	s7 =	rddreg [dreg:$0x8];
	[sflag:s19] =	ssyncadd.s32 $0xFFFFFF80  }
0x23: {  	[hbm4b:s7+s3] =	stream.linear.scatter [tilespmem:s18], [sflag:$0x5], $0x80, $0x38;
	[tilespmem:$0x17300] =	vst v63  }
0x24: {  	_ =	swait.ge [sflag:s15], $0x80  }
0x25: {  	[sflag:s15] =	ssyncset.done $0x0  }
0x26: {  	[sflag:s15] =	ssyncadd.s32 $0xFFFFFF80  }
0x27: {  	_ =	swait.ge [sflag:s20], $0x2000  }
0x28: {  	[sflag:s20] =	ssyncset.done $0x0  }
0x29: {  	s8 =	rddreg [dreg:$0x9];
	[sflag:s20] =	ssyncadd.s32 $0xFFFFE000  }
0x2a: {  	[hbm4b:s8+s21] =	stream.strided.scatter [tilespmem:s17], [sflag:$0x5], $0x2000, s16, s21, $0x38;
	[tilespmem:$0x17300] =	vst v63  }
0x2b: {  	_ =	swait.ge [sflag:s15], $0x2000  }
0x2c: {  	[sflag:s15] =	ssyncset.done $0x0  }
0x2d: {  	s9 =	rddreg [dreg:$0xa];
	[sflag:s15] =	ssyncadd.s32 $0xFFFFE000  }
0x2e: {  	[tilespmem:s14], [sflag:$0x5] =	stream.linear.gather [hbm4b:s9+s3], $0x80, $0x38;
	[tilespmem:$0x17300] =	vst v63  }
0x2f: {  	_ =	swait.ge [sflag:s15], $0x80  }
0x30: {  	[sflag:s15] =	ssyncset.done $0x0  }
0x31: {  	[sflag:s15] =	ssyncadd.s32 $0xFFFFFF80  }
0x32: {  	[tilespmem:s22], [sflag:$0x2] =	stream.indirect.gather [hbm4b:s5+s16], $0x40, s14, s16, $0xb8;
	[tilespmem:$0x17300] =	vst v63  }
0x33: {  	_ =	swait.ge [sflag:s23], $0x2000  }
0x34: {  	[sflag:s23] =	ssyncset.done $0x0  }
0x35: {  	s10 =	rddreg [dreg:$0xb];
	[sflag:s23] =	ssyncadd.s32 $0xFFFFE000  }
0x36: {  	[hbm4b:s10+s21] =	stream.strided.scatter [tilespmem:s22], [sflag:$0x5], $0x2000, s16, s21, $0x38;
	[tilespmem:$0x17300] =	vst v63  }
0x37: {  	_ =	swait.ge [sflag:s15], $0x2000  }
0x38: {  	[sflag:s15] =	ssyncset.done $0x0  }
0x39: {  	s11 =	rddreg [dreg:$0xc];
	[sflag:s15] =	ssyncadd.s32 $0xFFFFE000  }
0x3a: {  	[tilespmem:s3], [sflag:$0x5] =	stream.linear.gather [hbm4b:s11+s3], $0x1900, $0x38;
	[tilespmem:$0x17300] =	vst v63  }
0x3b: {  	_ =	swait.ge [sflag:s15], $0x1900  }
0x3c: {  	[sflag:s15] =	ssyncset.done $0x0  }
0x3d: {  	s7 =	simm.s32 $0x1900;
	[sflag:s15] =	ssyncadd.s32 $0xFFFFE700  }
0x3e: {  	[tilespmem:s7], [sflag:$0x5] =	stream.linear.gather [hbm4b:s12+s3], $0x1900, $0x38;
	[tilespmem:$0x17300] =	vst v63  }
0x3f: {  	_ =	swait.ge [sflag:s15], $0x1900  }
0x40: {  	[sflag:s15] =	ssyncset.done $0x0  }
0x41: {  	s8 =	simm.s32 $0x0;
	[sflag:s15] =	ssyncadd.s32 $0xFFFFE700  }
0x42: {  	[tilespmem:s17], [sflag:$0x1] =	stream.indirect.gather [hbm4b:s4+s16], $0x40, s8, s16, $0xb8;
	[tilespmem:$0x17300] =	vst v63  }
0x43: {  	s9 =	simm.s32 $0x80  }
0x44: {  	[tilespmem:s25], [sflag:$0x1] =	stream.indirect.gather [hbm4b:s4+s16], $0x40, s9, s16, $0xb8;
	[tilespmem:$0x17300] =	vst v63  }
0x45: {  	s10 =	simm.s32 $0x100  }
0x46: {  	[tilespmem:s26], [sflag:$0x1] =	stream.indirect.gather [hbm4b:s4+s16], $0x40, s10, s16, $0xb8;
	[tilespmem:$0x17300] =	vst v63  }
0x47: {  	s11 =	simm.s32 $0x180  }
0x48: {  	[tilespmem:s28], [sflag:$0x1] =	stream.indirect.gather [hbm4b:s4+s16], $0x40, s11, s16, $0xb8;
	[tilespmem:$0x17300] =	vst v63  }
0x49: {  	s7 =	simm.s32 $0x200  }
0x4a: {  	[tilespmem:s29], [sflag:$0x1] =	stream.indirect.gather [hbm4b:s4+s16], $0x40, s7, s16, $0xb8;
	[tilespmem:$0x17300] =	vst v63  }
0x4b: {  	s8 =	simm.s32 $0x1900  }
0x4c: {  	[tilespmem:s22], [sflag:$0x2] =	stream.indirect.gather [hbm4b:s5+s16], $0x40, s8, s16, $0xb8;
	[tilespmem:$0x17300] =	vst v63  }
0x4d: {  	s9 =	simm.s32 $0x1980  }
0x4e: {  	[tilespmem:s30], [sflag:$0x2] =	stream.indirect.gather [hbm4b:s5+s16], $0x40, s9, s16, $0xb8;
	[tilespmem:$0x17300] =	vst v63  }
0x4f: {  	s10 =	simm.s32 $0x1A00  }
0x50: {  	[tilespmem:s31], [sflag:$0x2] =	stream.indirect.gather [hbm4b:s5+s16], $0x40, s10, s16, $0xb8;
	[tilespmem:$0x17300] =	vst v63  }
0x51: {  	s11 =	simm.s32 $0x1A80  }
0x52: {  	[tilespmem:s1], [sflag:$0x2] =	stream.indirect.gather [hbm4b:s5+s16], $0x40, s11, s16, $0xb8;
	[tilespmem:$0x17300] =	vst v63  }
0x53: {  	s7 =	simm.s32 $0x1B00  }
0x54: {  	[tilespmem:s0], [sflag:$0x2] =	stream.indirect.gather [hbm4b:s5+s16], $0x40, s7, s16, $0xb8;
	[tilespmem:$0x17300] =	vst v63  }
0x55: {  	_ =	swait.ge [sflag:s20], $0x2000  }
0x56: {  	s8 =	rddreg [dreg:$0x6];
	[sflag:s20] =	ssyncset.done $0x0  }
0x57: {  	[sflag:s20] =	ssyncadd.s32 $0xFFFFE000;
	s6 =	sadd.s32 $0x0, s8  }
0x58: {  	[hbm4b:s6+s21] =	stream.strided.scatter [tilespmem:s17], [sflag:$0x3], $0x2000, s16, s21, $0x38;
	[tilespmem:$0x17300] =	vst v63  }
0x59: {  	_ =	swait.ge [sflag:s20], $0x2000  }
0x5a: {  	[sflag:s20] =	ssyncset.done $0x0  }
0x5b: {  	s7 =	sadd.s32 $0x800, s6;
	[sflag:s20] =	ssyncadd.s32 $0xFFFFE000  }
0x5c: {  	[hbm4b:s7+s21] =	stream.strided.scatter [tilespmem:s25], [sflag:$0x3], $0x2000, s16, s21, $0x38;
	[tilespmem:$0x17300] =	vst v63  }
0x5d: {  	_ =	swait.ge [sflag:s20], $0x2000  }
0x5e: {  	[sflag:s20] =	ssyncset.done $0x0  }
0x5f: {  	s9 =	sadd.s32 $0x1000, s6;
	[sflag:s20] =	ssyncadd.s32 $0xFFFFE000  }
0x60: {  	[hbm4b:s9+s21] =	stream.strided.scatter [tilespmem:s26], [sflag:$0x3], $0x2000, s16, s21, $0x38;
	[tilespmem:$0x17300] =	vst v63  }
0x61: {  	_ =	swait.ge [sflag:s20], $0x2000  }
0x62: {  	[sflag:s20] =	ssyncset.done $0x0  }
0x63: {  	s10 =	sadd.s32 $0x1800, s6;
	[sflag:s20] =	ssyncadd.s32 $0xFFFFE000  }
0x64: {  	[hbm4b:s10+s21] =	stream.strided.scatter [tilespmem:s28], [sflag:$0x3], $0x2000, s16, s21, $0x38;
	[tilespmem:$0x17300] =	vst v63  }
0x65: {  	_ =	swait.ge [sflag:s20], $0x2000  }
0x66: {  	[sflag:s20] =	ssyncset.done $0x0  }
0x67: {  	s11 =	sadd.s32 $0x2000, s6;
	[sflag:s20] =	ssyncadd.s32 $0xFFFFE000  }
0x68: {  	[hbm4b:s11+s21] =	stream.strided.scatter [tilespmem:s29], [sflag:$0x3], $0x2000, s16, s21, $0x38;
	[tilespmem:$0x17300] =	vst v63  }
0x69: {  	_ =	swait.ge [sflag:s23], $0x2000  }
0x6a: {  	[sflag:s23] =	ssyncset.done $0x0  }
0x6b: {  	s8 =	sadd.s32 $0x8, s6;
	[sflag:s23] =	ssyncadd.s32 $0xFFFFE000  }
0x6c: {  	[hbm4b:s8+s21] =	stream.strided.scatter [tilespmem:s22], [sflag:$0x4], $0x2000, s16, s21, $0x38;
	[tilespmem:$0x17300] =	vst v63  }
0x6d: {  	_ =	swait.ge [sflag:s23], $0x2000  }
0x6e: {  	[sflag:s23] =	ssyncset.done $0x0  }
0x6f: {  	s9 =	sadd.s32 $0x808, s6;
	[sflag:s23] =	ssyncadd.s32 $0xFFFFE000  }
0x70: {  	[hbm4b:s9+s21] =	stream.strided.scatter [tilespmem:s30], [sflag:$0x4], $0x2000, s16, s21, $0x38;
	[tilespmem:$0x17300] =	vst v63  }
0x71: {  	_ =	swait.ge [sflag:s23], $0x2000  }
0x72: {  	[sflag:s23] =	ssyncset.done $0x0  }
0x73: {  	s10 =	sadd.s32 $0x1008, s6;
	[sflag:s23] =	ssyncadd.s32 $0xFFFFE000  }
0x74: {  	[hbm4b:s10+s21] =	stream.strided.scatter [tilespmem:s31], [sflag:$0x4], $0x2000, s16, s21, $0x38;
	[tilespmem:$0x17300] =	vst v63  }
0x75: {  	_ =	swait.ge [sflag:s23], $0x2000  }
0x76: {  	[sflag:s23] =	ssyncset.done $0x0  }
0x77: {  	s11 =	sadd.s32 $0x1808, s6;
	[sflag:s23] =	ssyncadd.s32 $0xFFFFE000  }
0x78: {  	[hbm4b:s11+s21] =	stream.strided.scatter [tilespmem:s1], [sflag:$0x4], $0x2000, s16, s21, $0x38;
	[tilespmem:$0x17300] =	vst v63  }
0x79: {  	_ =	swait.ge [sflag:s23], $0x2000  }
0x7a: {  	[sflag:s23] =	ssyncset.done $0x0  }
0x7b: {  	s6 =	sadd.s32 $0x2008, s6;
	[sflag:s23] =	ssyncadd.s32 $0xFFFFE000  }
0x7c: {  	[hbm4b:s6+s21] =	stream.strided.scatter [tilespmem:s0], [sflag:$0x4], $0x2000, s16, s21, $0x38;
	[tilespmem:$0x17300] =	vst v63  }
0x7d: {  	_ =	swait.ge [sflag:s19], $0x2000  }
0x7e: {  	[sflag:s19] =	ssyncset.done $0x0  }
0x7f: {  	[sflag:s19] =	ssyncadd.s32 $0xFFFFE000  }
0x80: {  	_ =	swait.ge [sflag:s19], $0x2000  }
0x81: {  	[sflag:s19] =	ssyncset.done $0x0  }
0x82: {  	[sflag:s19] =	ssyncadd.s32 $0xFFFFE000  }
0x83: {  	_ =	swait.ge [sflag:s19], $0x2000  }
0x84: {  	[sflag:s19] =	ssyncset.done $0x0  }
0x85: {  	[sflag:s19] =	ssyncadd.s32 $0xFFFFE000  }
0x86: {  	_ =	swait.ge [sflag:s19], $0x2000  }
0x87: {  	[sflag:s19] =	ssyncset.done $0x0  }
0x88: {  	[sflag:s19] =	ssyncadd.s32 $0xFFFFE000  }
0x89: {  	_ =	swait.ge [sflag:s19], $0x2000  }
0x8a: {  	[sflag:s19] =	ssyncset.done $0x0  }
0x8b: {  	[sflag:s19] =	ssyncadd.s32 $0xFFFFE000  }
0x8c: {  	_ =	swait.ge [sflag:s2], $0x2000  }
0x8d: {  	[sflag:s2] =	ssyncset.done $0x0  }
0x8e: {  	[sflag:s2] =	ssyncadd.s32 $0xFFFFE000  }
0x8f: {  	_ =	swait.ge [sflag:s2], $0x2000  }
0x90: {  	[sflag:s2] =	ssyncset.done $0x0  }
0x91: {  	[sflag:s2] =	ssyncadd.s32 $0xFFFFE000  }
0x92: {  	_ =	swait.ge [sflag:s2], $0x2000  }
0x93: {  	[sflag:s2] =	ssyncset.done $0x0  }
0x94: {  	[sflag:s2] =	ssyncadd.s32 $0xFFFFE000  }
0x95: {  	_ =	swait.ge [sflag:s2], $0x2000  }
0x96: {  	[sflag:s2] =	ssyncset.done $0x0  }
0x97: {  	[sflag:s2] =	ssyncadd.s32 $0xFFFFE000  }
0x98: {  	s7 =	simm.s32 $0x5000;
	_ =	swait.ge [sflag:s2], $0x2000  }
0x99: {  	s8 =	simm.s32 $0xA00;
	s6 =	simm.s32 $0x2800;
	[sflag:s2] =	ssyncset.done $0x0  }
.LBB2_2:
0x9a: {  	s9 =	sshra.s32 s8, $0x2;
	[sflag:s2] =	ssyncadd.s32 $0xFFFFE000  }
0x9b: {  	[tilespmem:s17], [sflag:$0x1] =	stream.indirect.gather [hbm4b:s4+s16], $0x40, s9, s16, $0xb8;
	[tilespmem:$0x17300] =	vst v63  }
0x9c: {  	s10 =	sadd.s32 $0x80, s9  }
0x9d: {  	[tilespmem:s25], [sflag:$0x1] =	stream.indirect.gather [hbm4b:s4+s16], $0x40, s10, s16, $0xb8;
	[tilespmem:$0x17300] =	vst v63  }
0x9e: {  	s10 =	sadd.s32 $0x100, s9  }
0x9f: {  	[tilespmem:s26], [sflag:$0x1] =	stream.indirect.gather [hbm4b:s4+s16], $0x40, s10, s16, $0xb8;
	[tilespmem:$0x17300] =	vst v63  }
0xa0: {  	s10 =	sadd.s32 $0x180, s9  }
0xa1: {  	[tilespmem:s28], [sflag:$0x1] =	stream.indirect.gather [hbm4b:s4+s16], $0x40, s10, s16, $0xb8;
	[tilespmem:$0x17300] =	vst v63  }
0xa2: {  	s10 =	sadd.s32 $0x200, s9  }
0xa3: {  	[tilespmem:s29], [sflag:$0x1] =	stream.indirect.gather [hbm4b:s4+s16], $0x40, s10, s16, $0xb8;
	[tilespmem:$0x17300] =	vst v63  }
0xa4: {  	s10 =	sadd.s32 $0x1900, s9  }
0xa5: {  	[tilespmem:s22], [sflag:$0x2] =	stream.indirect.gather [hbm4b:s5+s16], $0x40, s10, s16, $0xb8;
	[tilespmem:$0x17300] =	vst v63  }
0xa6: {  	s10 =	sadd.s32 $0x1980, s9  }
0xa7: {  	[tilespmem:s30], [sflag:$0x2] =	stream.indirect.gather [hbm4b:s5+s16], $0x40, s10, s16, $0xb8;
	[tilespmem:$0x17300] =	vst v63  }
0xa8: {  	s10 =	sadd.s32 $0x1A00, s9  }
0xa9: {  	[tilespmem:s31], [sflag:$0x2] =	stream.indirect.gather [hbm4b:s5+s16], $0x40, s10, s16, $0xb8;
	[tilespmem:$0x17300] =	vst v63  }
0xaa: {  	s10 =	sadd.s32 $0x1A80, s9  }
0xab: {  	[tilespmem:s1], [sflag:$0x2] =	stream.indirect.gather [hbm4b:s5+s16], $0x40, s10, s16, $0xb8;
	[tilespmem:$0x17300] =	vst v63  }
0xac: {  	s9 =	sadd.s32 $0x1B00, s9  }
0xad: {  	[tilespmem:s0], [sflag:$0x2] =	stream.indirect.gather [hbm4b:s5+s16], $0x40, s9, s16, $0xb8;
	[tilespmem:$0x17300] =	vst v63  }
0xae: {  	_ =	swait.ge [sflag:s20], $0x2000  }
0xaf: {  	s10 =	rddreg [dreg:$0x6];
	[sflag:s20] =	ssyncset.done $0x0  }
0xb0: {  	[sflag:s20] =	ssyncadd.s32 $0xFFFFE000;
	s9 =	sadd.s32 s6, s10  }
0xb1: {  	[hbm4b:s9+s21] =	stream.strided.scatter [tilespmem:s17], [sflag:$0x3], $0x2000, s16, s21, $0x38;
	[tilespmem:$0x17300] =	vst v63  }
0xb2: {  	_ =	swait.ge [sflag:s20], $0x2000  }
0xb3: {  	s11 =	smov.u32 s7;
	[sflag:s20] =	ssyncset.done $0x0  }
0xb4: {  	s6 =	smov.u32 s11;
	s11 =	sadd.s32 $0x800, s9;
	[sflag:s20] =	ssyncadd.s32 $0xFFFFE000  }
0xb5: {  	[hbm4b:s11+s21] =	stream.strided.scatter [tilespmem:s25], [sflag:$0x3], $0x2000, s16, s21, $0x38;
	[tilespmem:$0x17300] =	vst v63  }
0xb6: {  	_ =	swait.ge [sflag:s20], $0x2000  }
0xb7: {  	[sflag:s20] =	ssyncset.done $0x0  }
0xb8: {  	s11 =	sadd.s32 $0x1000, s9;
	[sflag:s20] =	ssyncadd.s32 $0xFFFFE000  }
0xb9: {  	[hbm4b:s11+s21] =	stream.strided.scatter [tilespmem:s26], [sflag:$0x3], $0x2000, s16, s21, $0x38;
	[tilespmem:$0x17300] =	vst v63  }
0xba: {  	_ =	swait.ge [sflag:s20], $0x2000  }
0xbb: {  	[sflag:s20] =	ssyncset.done $0x0  }
0xbc: {  	s11 =	sadd.s32 $0x1800, s9;
	[sflag:s20] =	ssyncadd.s32 $0xFFFFE000  }
0xbd: {  	[hbm4b:s11+s21] =	stream.strided.scatter [tilespmem:s28], [sflag:$0x3], $0x2000, s16, s21, $0x38;
	[tilespmem:$0x17300] =	vst v63  }
0xbe: {  	_ =	swait.ge [sflag:s20], $0x2000  }
0xbf: {  	[sflag:s20] =	ssyncset.done $0x0  }
0xc0: {  	s11 =	sadd.s32 $0x2000, s9;
	[sflag:s20] =	ssyncadd.s32 $0xFFFFE000  }
0xc1: {  	[hbm4b:s11+s21] =	stream.strided.scatter [tilespmem:s29], [sflag:$0x3], $0x2000, s16, s21, $0x38;
	[tilespmem:$0x17300] =	vst v63  }
0xc2: {  	_ =	swait.ge [sflag:s23], $0x2000  }
0xc3: {  	[sflag:s23] =	ssyncset.done $0x0  }
0xc4: {  	s11 =	sadd.s32 $0x8, s9;
	[sflag:s23] =	ssyncadd.s32 $0xFFFFE000  }
0xc5: {  	[hbm4b:s11+s21] =	stream.strided.scatter [tilespmem:s22], [sflag:$0x4], $0x2000, s16, s21, $0x38;
	[tilespmem:$0x17300] =	vst v63  }
0xc6: {  	_ =	swait.ge [sflag:s23], $0x2000  }
0xc7: {  	[sflag:s23] =	ssyncset.done $0x0  }
0xc8: {  	s11 =	sadd.s32 $0x808, s9;
	[sflag:s23] =	ssyncadd.s32 $0xFFFFE000  }
0xc9: {  	[hbm4b:s11+s21] =	stream.strided.scatter [tilespmem:s30], [sflag:$0x4], $0x2000, s16, s21, $0x38;
	[tilespmem:$0x17300] =	vst v63  }
0xca: {  	_ =	swait.ge [sflag:s23], $0x2000  }
0xcb: {  	[sflag:s23] =	ssyncset.done $0x0  }
0xcc: {  	s11 =	sadd.s32 $0x1008, s9;
	[sflag:s23] =	ssyncadd.s32 $0xFFFFE000  }
0xcd: {  	[hbm4b:s11+s21] =	stream.strided.scatter [tilespmem:s31], [sflag:$0x4], $0x2000, s16, s21, $0x38;
	[tilespmem:$0x17300] =	vst v63  }
0xce: {  	_ =	swait.ge [sflag:s23], $0x2000  }
0xcf: {  	[sflag:s23] =	ssyncset.done $0x0  }
0xd0: {  	s11 =	sadd.s32 $0x1808, s9;
	[sflag:s23] =	ssyncadd.s32 $0xFFFFE000  }
0xd1: {  	[hbm4b:s11+s21] =	stream.strided.scatter [tilespmem:s1], [sflag:$0x4], $0x2000, s16, s21, $0x38;
	[tilespmem:$0x17300] =	vst v63  }
0xd2: {  	_ =	swait.ge [sflag:s23], $0x2000  }
0xd3: {  	[sflag:s23] =	ssyncset.done $0x0  }
0xd4: {  	s9 =	sadd.s32 $0x2008, s9;
	[sflag:s23] =	ssyncadd.s32 $0xFFFFE000  }
0xd5: {  	[hbm4b:s9+s21] =	stream.strided.scatter [tilespmem:s0], [sflag:$0x4], $0x2000, s16, s21, $0x38;
	[tilespmem:$0x17300] =	vst v63  }
0xd6: {  	_ =	swait.ge [sflag:s19], $0x2000  }
0xd7: {  	[sflag:s19] =	ssyncset.done $0x0  }
0xd8: {  	[sflag:s19] =	ssyncadd.s32 $0xFFFFE000  }
0xd9: {  	_ =	swait.ge [sflag:s19], $0x2000  }
0xda: {  	[sflag:s19] =	ssyncset.done $0x0  }
0xdb: {  	[sflag:s19] =	ssyncadd.s32 $0xFFFFE000  }
0xdc: {  	_ =	swait.ge [sflag:s19], $0x2000  }
0xdd: {  	[sflag:s19] =	ssyncset.done $0x0  }
0xde: {  	[sflag:s19] =	ssyncadd.s32 $0xFFFFE000  }
0xdf: {  	_ =	swait.ge [sflag:s19], $0x2000  }
0xe0: {  	[sflag:s19] =	ssyncset.done $0x0  }
0xe1: {  	[sflag:s19] =	ssyncadd.s32 $0xFFFFE000  }
0xe2: {  	_ =	swait.ge [sflag:s19], $0x2000  }
0xe3: {  	[sflag:s19] =	ssyncset.done $0x0  }
0xe4: {  	[sflag:s19] =	ssyncadd.s32 $0xFFFFE000  }
0xe5: {  	_ =	swait.ge [sflag:s2], $0x2000  }
0xe6: {  	[sflag:s2] =	ssyncset.done $0x0  }
0xe7: {  	[sflag:s2] =	ssyncadd.s32 $0xFFFFE000  }
0xe8: {  	_ =	swait.ge [sflag:s2], $0x2000  }
0xe9: {  	[sflag:s2] =	ssyncset.done $0x0  }
0xea: {  	[sflag:s2] =	ssyncadd.s32 $0xFFFFE000  }
0xeb: {  	_ =	swait.ge [sflag:s2], $0x2000  }
0xec: {  	[sflag:s2] =	ssyncset.done $0x0  }
0xed: {  	p0 =	sne.s32 s7, $0x16800;
	[sflag:s2] =	ssyncadd.s32 $0xFFFFE000  }
.Ltmp0:
0xee: {  	_ =	swait.ge [sflag:s2], $0x2000;
	(pc) =	sbr.rel @p0 .LBB2_2-.Ltmp0, $4  }
0xef: {  	[sflag:s2] =	ssyncset.done $0x0  }
0xf0: {  	[sflag:s2] =	ssyncadd.s32 $0xFFFFE000  }
0xf1: {  	_ =	swait.ge [sflag:s2], $0x2000  }
0xf2: {  	s7 =	sadd.s32 $0x2800, s7;
	s8 =	sadd.s32 $0xA00, s8;
	[sflag:s2] =	ssyncset.done $0x0  }
0xf3: {  	s7 =	sshra.s32 s8, $0x2;
	[sflag:s2] =	ssyncadd.s32 $0xFFFFE000  }
0xf4: {  	[tilespmem:s17], [sflag:$0x1] =	stream.indirect.gather [hbm4b:s4+s16], $0x40, s7, s16, $0xb8;
	[tilespmem:$0x17300] =	vst v63  }
0xf5: {  	s8 =	sadd.s32 $0x80, s7  }
0xf6: {  	[tilespmem:s25], [sflag:$0x1] =	stream.indirect.gather [hbm4b:s4+s16], $0x40, s8, s16, $0xb8;
	[tilespmem:$0x17300] =	vst v63  }
0xf7: {  	s11 =	sadd.s32 $0x100, s7  }
0xf8: {  	[tilespmem:s26], [sflag:$0x1] =	stream.indirect.gather [hbm4b:s4+s16], $0x40, s11, s16, $0xb8;
	[tilespmem:$0x17300] =	vst v63  }
0xf9: {  	s9 =	sadd.s32 $0x180, s7  }
0xfa: {  	[tilespmem:s28], [sflag:$0x1] =	stream.indirect.gather [hbm4b:s4+s16], $0x40, s9, s16, $0xb8;
	[tilespmem:$0x17300] =	vst v63  }
0xfb: {  	s10 =	sadd.s32 $0x200, s7  }
0xfc: {  	[tilespmem:s29], [sflag:$0x1] =	stream.indirect.gather [hbm4b:s4+s16], $0x40, s10, s16, $0xb8;
	[tilespmem:$0x17300] =	vst v63  }
0xfd: {  	s11 =	sadd.s32 $0x1900, s7  }
0xfe: {  	[tilespmem:s22], [sflag:$0x2] =	stream.indirect.gather [hbm4b:s5+s16], $0x40, s11, s16, $0xb8;
	[tilespmem:$0x17300] =	vst v63  }
0xff: {  	s9 =	sadd.s32 $0x1980, s7  }
0x100: {  	[tilespmem:s30], [sflag:$0x2] =	stream.indirect.gather [hbm4b:s5+s16], $0x40, s9, s16, $0xb8;
	[tilespmem:$0x17300] =	vst v63  }
0x101: {  	s10 =	sadd.s32 $0x1A00, s7  }
0x102: {  	[tilespmem:s31], [sflag:$0x2] =	stream.indirect.gather [hbm4b:s5+s16], $0x40, s10, s16, $0xb8;
	[tilespmem:$0x17300] =	vst v63  }
0x103: {  	s11 =	sadd.s32 $0x1A80, s7  }
0x104: {  	[tilespmem:s1], [sflag:$0x2] =	stream.indirect.gather [hbm4b:s5+s16], $0x40, s11, s16, $0xb8;
	[tilespmem:$0x17300] =	vst v63  }
0x105: {  	s7 =	sadd.s32 $0x1B00, s7  }
0x106: {  	[tilespmem:s0], [sflag:$0x2] =	stream.indirect.gather [hbm4b:s5+s16], $0x40, s7, s16, $0xb8;
	[tilespmem:$0x17300] =	vst v63  }
0x107: {  	_ =	swait.ge [sflag:s20], $0x2000  }
0x108: {  	s8 =	rddreg [dreg:$0x6];
	[sflag:s20] =	ssyncset.done $0x0  }
0x109: {  	[sflag:s20] =	ssyncadd.s32 $0xFFFFE000;
	s6 =	sadd.s32 s6, s8  }
0x10a: {  	[hbm4b:s6+s21] =	stream.strided.scatter [tilespmem:s17], [sflag:$0x3], $0x2000, s16, s21, $0x38;
	[tilespmem:$0x17300] =	vst v63  }
0x10b: {  	_ =	swait.ge [sflag:s20], $0x2000  }
0x10c: {  	[sflag:s20] =	ssyncset.done $0x0  }
0x10d: {  	s7 =	sadd.s32 $0x800, s6;
	[sflag:s20] =	ssyncadd.s32 $0xFFFFE000  }
0x10e: {  	[hbm4b:s7+s21] =	stream.strided.scatter [tilespmem:s25], [sflag:$0x3], $0x2000, s16, s21, $0x38;
	[tilespmem:$0x17300] =	vst v63  }
0x10f: {  	_ =	swait.ge [sflag:s20], $0x2000  }
0x110: {  	[sflag:s20] =	ssyncset.done $0x0  }
0x111: {  	s9 =	sadd.s32 $0x1000, s6;
	[sflag:s20] =	ssyncadd.s32 $0xFFFFE000  }
0x112: {  	[hbm4b:s9+s21] =	stream.strided.scatter [tilespmem:s26], [sflag:$0x3], $0x2000, s16, s21, $0x38;
	[tilespmem:$0x17300] =	vst v63  }
0x113: {  	_ =	swait.ge [sflag:s20], $0x2000  }
0x114: {  	[sflag:s20] =	ssyncset.done $0x0  }
0x115: {  	s10 =	sadd.s32 $0x1800, s6;
	[sflag:s20] =	ssyncadd.s32 $0xFFFFE000  }
0x116: {  	[hbm4b:s10+s21] =	stream.strided.scatter [tilespmem:s28], [sflag:$0x3], $0x2000, s16, s21, $0x38;
	[tilespmem:$0x17300] =	vst v63  }
0x117: {  	_ =	swait.ge [sflag:s20], $0x2000  }
0x118: {  	[sflag:s20] =	ssyncset.done $0x0  }
0x119: {  	s11 =	sadd.s32 $0x2000, s6;
	[sflag:s20] =	ssyncadd.s32 $0xFFFFE000  }
0x11a: {  	[hbm4b:s11+s21] =	stream.strided.scatter [tilespmem:s29], [sflag:$0x3], $0x2000, s16, s21, $0x38;
	[tilespmem:$0x17300] =	vst v63  }
0x11b: {  	_ =	swait.ge [sflag:s23], $0x2000  }
0x11c: {  	[sflag:s23] =	ssyncset.done $0x0  }
0x11d: {  	s8 =	sadd.s32 $0x8, s6;
	[sflag:s23] =	ssyncadd.s32 $0xFFFFE000  }
0x11e: {  	[hbm4b:s8+s21] =	stream.strided.scatter [tilespmem:s22], [sflag:$0x4], $0x2000, s16, s21, $0x38;
	[tilespmem:$0x17300] =	vst v63  }
0x11f: {  	_ =	swait.ge [sflag:s23], $0x2000  }
0x120: {  	[sflag:s23] =	ssyncset.done $0x0  }
0x121: {  	s9 =	sadd.s32 $0x808, s6;
	[sflag:s23] =	ssyncadd.s32 $0xFFFFE000  }
0x122: {  	[hbm4b:s9+s21] =	stream.strided.scatter [tilespmem:s30], [sflag:$0x4], $0x2000, s16, s21, $0x38;
	[tilespmem:$0x17300] =	vst v63  }
0x123: {  	_ =	swait.ge [sflag:s23], $0x2000  }
0x124: {  	[sflag:s23] =	ssyncset.done $0x0  }
0x125: {  	s10 =	sadd.s32 $0x1008, s6;
	[sflag:s23] =	ssyncadd.s32 $0xFFFFE000  }
0x126: {  	[hbm4b:s10+s21] =	stream.strided.scatter [tilespmem:s31], [sflag:$0x4], $0x2000, s16, s21, $0x38;
	[tilespmem:$0x17300] =	vst v63  }
0x127: {  	_ =	swait.ge [sflag:s23], $0x2000  }
0x128: {  	[sflag:s23] =	ssyncset.done $0x0  }
0x129: {  	s11 =	sadd.s32 $0x1808, s6;
	[sflag:s23] =	ssyncadd.s32 $0xFFFFE000  }
0x12a: {  	[hbm4b:s11+s21] =	stream.strided.scatter [tilespmem:s1], [sflag:$0x4], $0x2000, s16, s21, $0x38;
	[tilespmem:$0x17300] =	vst v63  }
0x12b: {  	_ =	swait.ge [sflag:s23], $0x2000  }
0x12c: {  	[sflag:s23] =	ssyncset.done $0x0  }
0x12d: {  	s6 =	sadd.s32 $0x2008, s6;
	[sflag:s23] =	ssyncadd.s32 $0xFFFFE000  }
0x12e: {  	[hbm4b:s6+s21] =	stream.strided.scatter [tilespmem:s0], [sflag:$0x4], $0x2000, s16, s21, $0x38;
	[tilespmem:$0x17300] =	vst v63  }
0x12f: {  	_ =	swait.ge [sflag:s19], $0x2000  }
0x130: {  	[sflag:s19] =	ssyncset.done $0x0  }
0x131: {  	[sflag:s19] =	ssyncadd.s32 $0xFFFFE000  }
0x132: {  	_ =	swait.ge [sflag:s19], $0x2000  }
0x133: {  	[sflag:s19] =	ssyncset.done $0x0  }
0x134: {  	[sflag:s19] =	ssyncadd.s32 $0xFFFFE000  }
0x135: {  	_ =	swait.ge [sflag:s19], $0x2000  }
0x136: {  	[sflag:s19] =	ssyncset.done $0x0  }
0x137: {  	[sflag:s19] =	ssyncadd.s32 $0xFFFFE000  }
0x138: {  	_ =	swait.ge [sflag:s19], $0x2000  }
0x139: {  	[sflag:s19] =	ssyncset.done $0x0  }
0x13a: {  	[sflag:s19] =	ssyncadd.s32 $0xFFFFE000  }
0x13b: {  	_ =	swait.ge [sflag:s19], $0x2000  }
0x13c: {  	[sflag:s19] =	ssyncset.done $0x0  }
0x13d: {  	[sflag:s19] =	ssyncadd.s32 $0xFFFFE000  }
0x13e: {  	_ =	swait.ge [sflag:s2], $0x2000  }
0x13f: {  	[sflag:s2] =	ssyncset.done $0x0  }
0x140: {  	[sflag:s2] =	ssyncadd.s32 $0xFFFFE000  }
0x141: {  	_ =	swait.ge [sflag:s2], $0x2000  }
0x142: {  	[sflag:s2] =	ssyncset.done $0x0  }
0x143: {  	[sflag:s2] =	ssyncadd.s32 $0xFFFFE000  }
0x144: {  	_ =	swait.ge [sflag:s2], $0x2000  }
0x145: {  	[sflag:s2] =	ssyncset.done $0x0  }
0x146: {  	s24 =	sadd.s32 $0x1, s24;
	[sflag:s2] =	ssyncadd.s32 $0xFFFFE000  }
0x147: {  	p0 =	sne.s32 s24, s13;
	_ =	swait.ge [sflag:s2], $0x2000  }
.Ltmp1:
0x148: {  	[sflag:s2] =	ssyncset.done $0x0;
	(pc) =	sbr.rel @p0 .LBB2_1-.Ltmp1, $4  }
0x149: {  	[sflag:s2] =	ssyncadd.s32 $0xFFFFE000  }
0x14a: {  	_ =	swait.ge [sflag:s2], $0x2000  }
0x14b: {  	[sflag:s2] =	ssyncset.done $0x0  }
0x14c: {  	[sflag:s2] =	ssyncadd.s32 $0xFFFFE000  }
0x14d: {  	_ =	sfence.sel $0x180000  }
0x14e: {  	[bflag:$0x0] =	sbarrier.arrive $0xFFFF  }
0x14f: {  	_ =	strace $0x90000047  }
0x150: {  	s0 =	stileid.u32;
	[bflag:$0x2] =	sbarrier.arrive $0xFFFF  }
0x151: {  	p0 =	sne.s32 s0, $0x0;
	s0 =	rddreg [dreg:$0x5]  }
0x152: {  	s0 =	sadd.s32 @!p0 $0x100000, s0  }
0x153: {  	[sflag:s0] =	ssyncadd.tile.s32 @!p0 $0x1;
	_ =	shalt  }
.Lfunc_end2:
_tile_overlayer_lowered:
.L_overlay_start_2:
0x154: {  	(tag) =	ssettag $0x2  }
0x155: {  	s0 =	rddreg [dreg:$0x0];
	s2 =	stileid.u32  }
0x156: {  	s1 =	rddreg [dreg:$0x1];
	p0 =	sne.s32 s2, $0x0  }
0x157: {  	s3 =	rddreg [dreg:$0x2];
	[bflag:$0x3] =	sbarrier.arrive $0xFFFF;
	s2 =	simm.s32 @!p0 $0x1C05  }
0x158: {  	[timem:s3], [sflag:s2] =	dma.local @!p0 [hbm:s0], s1  }
0x159: {  	s0 =	simm.s32 @!p0 $0x5  }
0x15a: {  	_ =	swait.ge @!p0 [sflag:s0], s1  }
0x15b: {  	s1 =	ssub.s32 @!p0 $0x0, s1;
	[sflag:s0] =	ssyncset.done @!p0 $0x0  }
0x15c: {  	[sflag:s0] =	ssyncadd.s32 @!p0 s1  }
0x15d: {  	[bflag:$0x3] =	sbarrier.arrive $0xFFFF  }
0x15e: {  	_ =	shalt  }

</sc_bundles>
